<compile_context>
chip_gen: v7x
topology: tpu7x:2x2x1
jax: 0.10.2.dev20260603
libtpu: 0.0.44.dev20260713+nightly
codegen_flags: <defaults>
</compile_context>

<pallas_src>
import functools

import jax
import jax.numpy as jnp
from jax import lax
from jax.experimental import pallas as pl
from jax.experimental.pallas import tpu as pltpu
from jax.experimental.pallas import tpu_sc as plsc

VOCAB = 100000
DIM = 64
FIELDS = 100
BATCH = 4096

B = BATCH * FIELDS
NW = 32
ROWS_PER_W = B // NW
CHUNK = 128
CHUNKS_PER_W = ROWS_PER_W // CHUNK
NBUF = 8
LAG = 6


def _make_kernel():
    mesh = plsc.VectorSubcoreMesh(core_axis_name="c", subcore_axis_name="s")

    @functools.partial(
        pl.kernel,
        mesh=mesh,
        out_type=jax.ShapeDtypeStruct((B, DIM), jnp.float32),
        compiler_params=pltpu.CompilerParams(use_tc_tiling_on_sc=False),
        scratch_types=[
            pltpu.VMEM((ROWS_PER_W,), jnp.int32),
            pltpu.VMEM((3 * FIELDS, DIM), jnp.float32),
            pltpu.VMEM((NBUF, CHUNK, DIM), jnp.float32),
            pltpu.SemaphoreType.DMA((NBUF,)),
            pltpu.SemaphoreType.DMA((NBUF,)),
        ],
    )
    def k(table_hbm, idx_hbm, pos3_hbm, out_hbm, idx_v, pos_v, rows_v, gsem, ssem):
        wid = lax.axis_index("s") * 2 + lax.axis_index("c")
        row_base = wid * ROWS_PER_W
        pltpu.sync_copy(idx_hbm.at[pl.ds(row_base, ROWS_PER_W)], idx_v)
        pltpu.sync_copy(pos3_hbm, pos_v)

        def gather_copy(c, b):
            return pltpu.make_async_copy(
                table_hbm.at[idx_v.at[pl.ds(c * CHUNK, CHUNK)]],
                rows_v.at[b],
                gsem.at[b],
            )

        def store_copy(c, b):
            return pltpu.make_async_copy(
                rows_v.at[b],
                out_hbm.at[pl.ds(row_base + c * CHUNK, CHUNK)],
                ssem.at[b],
            )

        def step(t, carry):
            @pl.when(t < CHUNKS_PER_W)
            def _issue():
                b = lax.rem(t, NBUF)

                @pl.when(t >= NBUF)
                def _drain_store():
                    store_copy(t - NBUF, b).wait()

                gather_copy(t, b).start()

            @pl.when(t >= LAG)
            def _process():
                cp = t - LAG
                b = lax.rem(cp, NBUF)
                gather_copy(cp, b).wait()
                p = lax.rem(cp * CHUNK, FIELDS)

                @plsc.parallel_loop(0, CHUNK, unroll=8)
                def _add(j):
                    jp = p + j
                    for q in range(DIM // 16):
                        plsc.addupdate(
                            rows_v.at[b, j, pl.ds(q * 16, 16)],
                            pos_v[jp, pl.ds(q * 16, 16)],
                        )

                store_copy(cp, b).start()

            return carry

        lax.fori_loop(0, CHUNKS_PER_W + LAG, step, 0)

        for c in range(CHUNKS_PER_W - NBUF, CHUNKS_PER_W):
            store_copy(c, c % NBUF).wait()

    return k


_gather_kernel = _make_kernel()


def kernel(x, cat_embed_weight, pos_encoder):
    idx = x.reshape(B).astype(jnp.int32)
    pos3 = jnp.tile(pos_encoder, (3, 1))
    out = _gather_kernel(cat_embed_weight, idx, pos3)
    return out.reshape(BATCH, FIELDS, DIM)

# --- scband reference (transcript-rebuilt; emitter-appended) ---
"""Pipeline reference for scband-raw-tokens-2104533975446 (READ-ONLY COPY).

The authoritative reference and input builder live on the scoring server;
editing this copy changes nothing except your own understanding.
"""

import jax, jax.numpy as jnp
import numpy as np

VOCAB = 100000
DIM = 64
FIELDS = 100
BATCH = 4096


def setup_inputs(seed: int = 0) -> dict:
    key = jax.random.key(seed)
    k1, k2, k3 = jax.random.split(key, 3)
    # leading axis of length 1 so that len(x) == 1 -> categorical-only branch
    x = jax.random.randint(k1, (1, BATCH, FIELDS), 0, VOCAB, dtype=jnp.int64)
    cat_embed_weight = jax.random.normal(k2, (VOCAB, DIM), dtype=jnp.float32) * np.sqrt(0.5)
    pos_encoder = jax.random.normal(k3, (FIELDS, DIM), dtype=jnp.float32) * np.sqrt(0.5)
    return {"x": x, "cat_embed_weight": cat_embed_weight, "pos_encoder": pos_encoder}


def reference(x, cat_embed_weight, pos_encoder):
    # len(x) == 1 -> else branch: x_cat = x[0]
    x_cat = x[0]  # [BATCH, FIELDS] int
    embed = jnp.take(cat_embed_weight, x_cat, axis=0)  # [BATCH, FIELDS, DIM]
    # pos_encoder is a learned tensor -> embed += pos_encoder[None]
    embed = embed + pos_encoder[None]
    return embed

if __name__ == "__main__":
    import jax
    _d = setup_inputs()
    print(jax.jit(kernel)(*tuple(_d.values())))

</pallas_src>

<mosaic_0001>
#map = affine_map<(d0, d1) -> (0, 0)>
#map1 = affine_map<(d0, d1) -> (0)>
module attributes {stable_mosaic.version = 14 : i64} {
  func.func @k(%arg0: i32, %arg1: i32, %arg2: memref<100000x64xf32, #tpu.memory_space<hbm>>, %arg3: memref<409600xi32, #tpu.memory_space<hbm>>, %arg4: memref<300x64xf32, #tpu.memory_space<hbm>>, %arg5: memref<409600x64xf32, #tpu.memory_space<hbm>>, %arg6: memref<12800xi32, #tpu.memory_space<vmem>>, %arg7: memref<300x64xf32, #tpu.memory_space<vmem>>, %arg8: memref<8x128x64xf32, #tpu.memory_space<vmem>>, %arg9: memref<8x!tpu.dma_semaphore, #tpu.memory_space<semaphore_mem>>, %arg10: memref<8x!tpu.dma_semaphore, #tpu.memory_space<semaphore_mem>>) attributes {dimension_semantics = [#tpu.dimension_semantics<core_parallel>, #tpu.dimension_semantics<subcore_parallel>], iteration_bounds = array<i64: 2, 16>, scalar_prefetch = 0 : i64, scratch_operands = 5 : i64, tpu.core_type = #tpu.core_type<sc_vector_subcore>, window_params = [{transform_indices = #map}, {transform_indices = #map1}, {transform_indices = #map}, {transform_indices = #map}]} {
    %mul3A = arith.constant 2 : i32
    %mul3A_0 = arith.muli %arg1, %mul3A : i32
    %add3A = arith.addi %mul3A_0, %arg0 : i32
    %mul3A_1 = arith.constant 12800 : i32
    %mul3A_2 = arith.muli %add3A, %mul3A_1 : i32
    "tpu.region"() ({
      %run_scoped3A = tpu.sem_alloc : memref<!tpu.dma_semaphore, #tpu.memory_space<semaphore_mem>>
      %dma_start3A = tpu.memref_slice %arg3[%mul3A_2] : memref<409600xi32, #tpu.memory_space<hbm>> -> memref<12800xi32, #tpu.memory_space<hbm>>
      %dma_start3A_151 = tpu.memref_slice %arg3[%mul3A_2] : memref<409600xi32, #tpu.memory_space<hbm>> -> memref<12800xi32, #tpu.memory_space<hbm>>
      tpu.enqueue_dma source(%dma_start3A_151 : memref<12800xi32, #tpu.memory_space<hbm>>) target(%arg6 : memref<12800xi32, #tpu.memory_space<vmem>>) target_semaphore(%run_scoped3A : memref<!tpu.dma_semaphore, #tpu.memory_space<semaphore_mem>>)
      %dma_wait3A_152 = tpu.memref_slice %arg3[%mul3A_2] : memref<409600xi32, #tpu.memory_space<hbm>> -> memref<12800xi32, #tpu.memory_space<hbm>>
      %dma_wait3A_153 = tpu.memref_slice %arg3[%mul3A_2] : memref<409600xi32, #tpu.memory_space<hbm>> -> memref<12800xi32, #tpu.memory_space<hbm>>
      tpu.wait_dma2 semaphore(%run_scoped3A : memref<!tpu.dma_semaphore, #tpu.memory_space<semaphore_mem>>) src(%dma_wait3A_153 : memref<12800xi32, #tpu.memory_space<hbm>>) dst(%arg6 : memref<12800xi32, #tpu.memory_space<vmem>>)
      tpu.yield
    }) : () -> ()
    "tpu.region"() ({
      %run_scoped3A = tpu.sem_alloc : memref<!tpu.dma_semaphore, #tpu.memory_space<semaphore_mem>>
      tpu.enqueue_dma source(%arg4 : memref<300x64xf32, #tpu.memory_space<hbm>>) target(%arg7 : memref<300x64xf32, #tpu.memory_space<vmem>>) target_semaphore(%run_scoped3A : memref<!tpu.dma_semaphore, #tpu.memory_space<semaphore_mem>>)
      tpu.wait_dma2 semaphore(%run_scoped3A : memref<!tpu.dma_semaphore, #tpu.memory_space<semaphore_mem>>) src(%arg4 : memref<300x64xf32, #tpu.memory_space<hbm>>) dst(%arg7 : memref<300x64xf32, #tpu.memory_space<vmem>>)
      tpu.yield
    }) : () -> ()
    %scan3A = arith.constant 0 : i32
    %scan3A_3 = arith.constant 0 : i32
    %scan3A_4 = arith.constant 106 : i32
    %scan3A_5 = arith.addi %scan3A_3, %scan3A_4 : i32
    %scan3A_6 = arith.constant 1 : i32
    scf.for %scan3A_151 = %scan3A_3 to %scan3A_5 step %scan3A_6  : i32 {
      %lt3A = arith.constant 100 : i32
      %lt3A_152 = arith.cmpi slt, %scan3A_151, %lt3A : i32
      %convert_element_type3A = arith.extui %lt3A_152 : i1 to i32
      %cond3A = arith.constant 0 : i32
      %cond3A_153 = arith.cmpi ne, %convert_element_type3A, %cond3A : i32
      scf.if %cond3A_153 {
        %rem3A = arith.constant 8 : i32
        %rem3A_158 = arith.remsi %scan3A_151, %rem3A : i32
        %ge3A_159 = arith.constant 8 : i32
        %ge3A_160 = arith.cmpi sge, %scan3A_151, %ge3A_159 : i32
        %convert_element_type3A_161 = arith.extui %ge3A_160 : i1 to i32
        %cond3A_162 = arith.constant 0 : i32
        %cond3A_163 = arith.cmpi ne, %convert_element_type3A_161, %cond3A_162 : i32
        scf.if %cond3A_163 {
          %sub3A = arith.constant 8 : i32
          %sub3A_175 = arith.subi %scan3A_151, %sub3A : i32
          %mul3A_176 = arith.constant 128 : i32
          %mul3A_177 = arith.muli %sub3A_175, %mul3A_176 : i32
          %add3A_178 = arith.addi %mul3A_2, %mul3A_177 : i32
          %dma_wait3A_179 = arith.constant 0 : i32
          %dma_wait3A_180 = arith.constant 0 : i32
          %dma_wait3A_181 = tpu.memref_slice %arg8[%rem3A_158, %dma_wait3A_179, %dma_wait3A_180] : memref<8x128x64xf32, #tpu.memory_space<vmem>> -> memref<1x128x64xf32, #tpu.memory_space<vmem>>
          %dma_wait3A_182 = tpu.memref_squeeze %dma_wait3A_181 : memref<1x128x64xf32, #tpu.memory_space<vmem>> -> memref<128x64xf32, #tpu.memory_space<vmem>>
          %dma_wait3A_183 = arith.constant 0 : i32
          %dma_wait3A_184 = tpu.memref_slice %arg5[%add3A_178, %dma_wait3A_183] : memref<409600x64xf32, #tpu.memory_space<hbm>> -> memref<128x64xf32, #tpu.memory_space<hbm>>
          %dma_wait3A_185 = tpu.memref_slice %arg10[%rem3A_158] : memref<8x!tpu.dma_semaphore, #tpu.memory_space<semaphore_mem>> -> memref<1x!tpu.dma_semaphore, #tpu.memory_space<semaphore_mem>>
          %dma_wait3A_186 = tpu.memref_squeeze %dma_wait3A_185 : memref<1x!tpu.dma_semaphore, #tpu.memory_space<semaphore_mem>> -> memref<!tpu.dma_semaphore, #tpu.memory_space<semaphore_mem>>
          %dma_wait3A_187 = arith.constant 0 : i32
          %dma_wait3A_188 = tpu.memref_slice %arg5[%add3A_178, %dma_wait3A_187] : memref<409600x64xf32, #tpu.memory_space<hbm>> -> memref<128x64xf32, #tpu.memory_space<hbm>>
          %dma_wait3A_189 = arith.constant 0 : i32
          %dma_wait3A_190 = arith.constant 0 : i32
          %dma_wait3A_191 = tpu.memref_slice %arg8[%rem3A_158, %dma_wait3A_189, %dma_wait3A_190] : memref<8x128x64xf32, #tpu.memory_space<vmem>> -> memref<1x128x64xf32, #tpu.memory_space<vmem>>
          %dma_wait3A_192 = tpu.memref_squeeze %dma_wait3A_191 : memref<1x128x64xf32, #tpu.memory_space<vmem>> -> memref<128x64xf32, #tpu.memory_space<vmem>>
          tpu.wait_dma2 semaphore(%dma_wait3A_186 : memref<!tpu.dma_semaphore, #tpu.memory_space<semaphore_mem>>) src(%dma_wait3A_192 : memref<128x64xf32, #tpu.memory_space<vmem>>) dst(%dma_wait3A_188 : memref<128x64xf32, #tpu.memory_space<hbm>>)
        } else {
        }
        %mul3A_164 = arith.constant 128 : i32
        %mul3A_165 = arith.muli %scan3A_151, %mul3A_164 : i32
        %dma_start3A = arith.constant 0 : i32
        %dma_start3A_166 = arith.constant 0 : i32
        %dma_start3A_167 = tpu.memref_slice %arg8[%rem3A_158, %dma_start3A, %dma_start3A_166] : memref<8x128x64xf32, #tpu.memory_space<vmem>> -> memref<1x128x64xf32, #tpu.memory_space<vmem>>
        %dma_start3A_168 = tpu.memref_squeeze %dma_start3A_167 : memref<1x128x64xf32, #tpu.memory_space<vmem>> -> memref<128x64xf32, #tpu.memory_space<vmem>>
        %dma_start3A_169 = tpu.memref_slice %arg6[%mul3A_165] : memref<12800xi32, #tpu.memory_space<vmem>> -> memref<128xi32, #tpu.memory_space<vmem>>
        %dma_start3A_170 = arith.constant 0 : i32
        %dma_start3A_171 = arith.constant 0 : i32
        %dma_start3A_172 = tpu.memref_slice %arg2[%dma_start3A_170, %dma_start3A_171] : memref<100000x64xf32, #tpu.memory_space<hbm>> -> memref<100000x64xf32, #tpu.memory_space<hbm>>
        %dma_start3A_173 = tpu.memref_slice %arg9[%rem3A_158] : memref<8x!tpu.dma_semaphore, #tpu.memory_space<semaphore_mem>> -> memref<1x!tpu.dma_semaphore, #tpu.memory_space<semaphore_mem>>
        %dma_start3A_174 = tpu.memref_squeeze %dma_start3A_173 : memref<1x!tpu.dma_semaphore, #tpu.memory_space<semaphore_mem>> -> memref<!tpu.dma_semaphore, #tpu.memory_space<semaphore_mem>>
        tpu.enqueue_indirect_dma source(%dma_start3A_172 : memref<100000x64xf32, #tpu.memory_space<hbm>>) target(%dma_start3A_168 : memref<128x64xf32, #tpu.memory_space<vmem>>) offsets(%dma_start3A_169 : memref<128xi32, #tpu.memory_space<vmem>>) semaphore(%dma_start3A_174 : memref<!tpu.dma_semaphore, #tpu.memory_space<semaphore_mem>>)
      } else {
      }
      %ge3A = arith.constant 6 : i32
      %ge3A_154 = arith.cmpi sge, %scan3A_151, %ge3A : i32
      %convert_element_type3A_155 = arith.extui %ge3A_154 : i1 to i32
      %cond3A_156 = arith.constant 0 : i32
      %cond3A_157 = arith.cmpi ne, %convert_element_type3A_155, %cond3A_156 : i32
      scf.if %cond3A_157 {
        %sub3A = arith.constant 6 : i32
        %sub3A_158 = arith.subi %scan3A_151, %sub3A : i32
        %rem3A = arith.constant 8 : i32
        %rem3A_159 = arith.remsi %sub3A_158, %rem3A : i32
        %mul3A_160 = arith.constant 128 : i32
        %mul3A_161 = arith.muli %sub3A_158, %mul3A_160 : i32
        %dma_wait3A_162 = arith.constant 0 : i32
        %dma_wait3A_163 = arith.constant 0 : i32
        %dma_wait3A_164 = tpu.memref_slice %arg8[%rem3A_159, %dma_wait3A_162, %dma_wait3A_163] : memref<8x128x64xf32, #tpu.memory_space<vmem>> -> memref<1x128x64xf32, #tpu.memory_space<vmem>>
        %dma_wait3A_165 = tpu.memref_squeeze %dma_wait3A_164 : memref<1x128x64xf32, #tpu.memory_space<vmem>> -> memref<128x64xf32, #tpu.memory_space<vmem>>
        %dma_wait3A_166 = tpu.memref_slice %arg6[%mul3A_161] : memref<12800xi32, #tpu.memory_space<vmem>> -> memref<128xi32, #tpu.memory_space<vmem>>
        %dma_wait3A_167 = arith.constant 0 : i32
        %dma_wait3A_168 = arith.constant 0 : i32
        %dma_wait3A_169 = tpu.memref_slice %arg2[%dma_wait3A_167, %dma_wait3A_168] : memref<100000x64xf32, #tpu.memory_space<hbm>> -> memref<100000x64xf32, #tpu.memory_space<hbm>>
        %dma_wait3A_170 = tpu.memref_slice %arg9[%rem3A_159] : memref<8x!tpu.dma_semaphore, #tpu.memory_space<semaphore_mem>> -> memref<1x!tpu.dma_semaphore, #tpu.memory_space<semaphore_mem>>
        %dma_wait3A_171 = tpu.memref_squeeze %dma_wait3A_170 : memref<1x!tpu.dma_semaphore, #tpu.memory_space<semaphore_mem>> -> memref<!tpu.dma_semaphore, #tpu.memory_space<semaphore_mem>>
        tpu.wait_indirect_dma semaphore(%dma_wait3A_171 : memref<!tpu.dma_semaphore, #tpu.memory_space<semaphore_mem>>) src(%dma_wait3A_169 : memref<100000x64xf32, #tpu.memory_space<hbm>>) dst(%dma_wait3A_165 : memref<128x64xf32, #tpu.memory_space<vmem>>)
        %mul3A_172 = arith.constant 128 : i32
        %mul3A_173 = arith.muli %sub3A_158, %mul3A_172 : i32
        %rem3A_174 = arith.constant 100 : i32
        %rem3A_175 = arith.remsi %mul3A_173, %rem3A_174 : i32
        %parallel_loop3A = arith.constant 0 : i32
        %parallel_loop3A_176 = arith.constant 128 : i32
        %parallel_loop3A_177 = arith.constant 1 : i32
        scf.for %parallel_loop3A_194 = %parallel_loop3A to %parallel_loop3A_176 step %parallel_loop3A_177  : i32 {
          %parallel_loop3A_195 = arith.addi %rem3A_175, %parallel_loop3A_194 : i32
          %parallel_loop3A_196 = arith.index_cast %parallel_loop3A_195 : i32 to index
          %parallel_loop3A_197 = arith.constant 0 : index
          %parallel_loop3A_198 = tpu.vector_load %arg7[%parallel_loop3A_196, %parallel_loop3A_197] {strides = array<i32>} : memref<300x64xf32, #tpu.memory_space<vmem>>, vector<1x16xf32>,
          %parallel_loop3A_199 = vector.shape_cast %parallel_loop3A_198 : vector<1x16xf32> to vector<16xf32>
          %parallel_loop3A_200 = arith.index_cast %rem3A_159 : i32 to index
          %parallel_loop3A_201 = arith.index_cast %parallel_loop3A_194 : i32 to index
          %parallel_loop3A_202 = arith.constant 0 : index
          %parallel_loop3A_203 = tpu.vector_load %arg8[%parallel_loop3A_200, %parallel_loop3A_201, %parallel_loop3A_202] {strides = array<i32>} : memref<8x128x64xf32, #tpu.memory_space<vmem>>, vector<1x1x16xf32>,
          %parallel_loop3A_204 = vector.shape_cast %parallel_loop3A_203 : vector<1x1x16xf32> to vector<16xf32>
          %parallel_loop3A_205 = vector.shape_cast %parallel_loop3A_199 : vector<16xf32> to vector<1x1x16xf32>
          tpu.vector_store %arg8[%parallel_loop3A_200, %parallel_loop3A_201, %parallel_loop3A_202], %parallel_loop3A_205 {add = true, strides = array<i32>} : memref<8x128x64xf32, #tpu.memory_space<vmem>>, vector<1x1x16xf32>,
          %parallel_loop3A_206 = arith.index_cast %parallel_loop3A_195 : i32 to index
          %parallel_loop3A_207 = arith.constant 16 : index
          %parallel_loop3A_208 = tpu.vector_load %arg7[%parallel_loop3A_206, %parallel_loop3A_207] {strides = array<i32>} : memref<300x64xf32, #tpu.memory_space<vmem>>, vector<1x16xf32>,
          %parallel_loop3A_209 = vector.shape_cast %parallel_loop3A_208 : vector<1x16xf32> to vector<16xf32>
          %parallel_loop3A_210 = arith.index_cast %rem3A_159 : i32 to index
          %parallel_loop3A_211 = arith.index_cast %parallel_loop3A_194 : i32 to index
          %parallel_loop3A_212 = arith.constant 16 : index
          %parallel_loop3A_213 = tpu.vector_load %arg8[%parallel_loop3A_210, %parallel_loop3A_211, %parallel_loop3A_212] {strides = array<i32>} : memref<8x128x64xf32, #tpu.memory_space<vmem>>, vector<1x1x16xf32>,
          %parallel_loop3A_214 = vector.shape_cast %parallel_loop3A_213 : vector<1x1x16xf32> to vector<16xf32>
          %parallel_loop3A_215 = vector.shape_cast %parallel_loop3A_209 : vector<16xf32> to vector<1x1x16xf32>
          tpu.vector_store %arg8[%parallel_loop3A_210, %parallel_loop3A_211, %parallel_loop3A_212], %parallel_loop3A_215 {add = true, strides = array<i32>} : memref<8x128x64xf32, #tpu.memory_space<vmem>>, vector<1x1x16xf32>,
          %parallel_loop3A_216 = arith.index_cast %parallel_loop3A_195 : i32 to index
          %parallel_loop3A_217 = arith.constant 32 : index
          %parallel_loop3A_218 = tpu.vector_load %arg7[%parallel_loop3A_216, %parallel_loop3A_217] {strides = array<i32>} : memref<300x64xf32, #tpu.memory_space<vmem>>, vector<1x16xf32>,
          %parallel_loop3A_219 = vector.shape_cast %parallel_loop3A_218 : vector<1x16xf32> to vector<16xf32>
          %parallel_loop3A_220 = arith.index_cast %rem3A_159 : i32 to index
          %parallel_loop3A_221 = arith.index_cast %parallel_loop3A_194 : i32 to index
          %parallel_loop3A_222 = arith.constant 32 : index
          %parallel_loop3A_223 = tpu.vector_load %arg8[%parallel_loop3A_220, %parallel_loop3A_221, %parallel_loop3A_222] {strides = array<i32>} : memref<8x128x64xf32, #tpu.memory_space<vmem>>, vector<1x1x16xf32>,
          %parallel_loop3A_224 = vector.shape_cast %parallel_loop3A_223 : vector<1x1x16xf32> to vector<16xf32>
          %parallel_loop3A_225 = vector.shape_cast %parallel_loop3A_219 : vector<16xf32> to vector<1x1x16xf32>
          tpu.vector_store %arg8[%parallel_loop3A_220, %parallel_loop3A_221, %parallel_loop3A_222], %parallel_loop3A_225 {add = true, strides = array<i32>} : memref<8x128x64xf32, #tpu.memory_space<vmem>>, vector<1x1x16xf32>,
          %parallel_loop3A_226 = arith.index_cast %parallel_loop3A_195 : i32 to index
          %parallel_loop3A_227 = arith.constant 48 : index
          %parallel_loop3A_228 = tpu.vector_load %arg7[%parallel_loop3A_226, %parallel_loop3A_227] {strides = array<i32>} : memref<300x64xf32, #tpu.memory_space<vmem>>, vector<1x16xf32>,
          %parallel_loop3A_229 = vector.shape_cast %parallel_loop3A_228 : vector<1x16xf32> to vector<16xf32>
          %parallel_loop3A_230 = arith.index_cast %rem3A_159 : i32 to index
          %parallel_loop3A_231 = arith.index_cast %parallel_loop3A_194 : i32 to index
          %parallel_loop3A_232 = arith.constant 48 : index
          %parallel_loop3A_233 = tpu.vector_load %arg8[%parallel_loop3A_230, %parallel_loop3A_231, %parallel_loop3A_232] {strides = array<i32>} : memref<8x128x64xf32, #tpu.memory_space<vmem>>, vector<1x1x16xf32>,
          %parallel_loop3A_234 = vector.shape_cast %parallel_loop3A_233 : vector<1x1x16xf32> to vector<16xf32>
          %parallel_loop3A_235 = vector.shape_cast %parallel_loop3A_229 : vector<16xf32> to vector<1x1x16xf32>
          tpu.vector_store %arg8[%parallel_loop3A_230, %parallel_loop3A_231, %parallel_loop3A_232], %parallel_loop3A_235 {add = true, strides = array<i32>} : memref<8x128x64xf32, #tpu.memory_space<vmem>>, vector<1x1x16xf32>,
        } {sc.loop_unroll_factor = 8 : i64, sc.parallel_access}
        %mul3A_178 = arith.constant 128 : i32
        %mul3A_179 = arith.muli %sub3A_158, %mul3A_178 : i32
        %add3A_180 = arith.addi %mul3A_2, %mul3A_179 : i32
        %dma_start3A = arith.constant 0 : i32
        %dma_start3A_181 = arith.constant 0 : i32
        %dma_start3A_182 = tpu.memref_slice %arg8[%rem3A_159, %dma_start3A, %dma_start3A_181] : memref<8x128x64xf32, #tpu.memory_space<vmem>> -> memref<1x128x64xf32, #tpu.memory_space<vmem>>
        %dma_start3A_183 = tpu.memref_squeeze %dma_start3A_182 : memref<1x128x64xf32, #tpu.memory_space<vmem>> -> memref<128x64xf32, #tpu.memory_space<vmem>>
        %dma_start3A_184 = arith.constant 0 : i32
        %dma_start3A_185 = tpu.memref_slice %arg5[%add3A_180, %dma_start3A_184] : memref<409600x64xf32, #tpu.memory_space<hbm>> -> memref<128x64xf32, #tpu.memory_space<hbm>>
        %dma_start3A_186 = tpu.memref_slice %arg10[%rem3A_159] : memref<8x!tpu.dma_semaphore, #tpu.memory_space<semaphore_mem>> -> memref<1x!tpu.dma_semaphore, #tpu.memory_space<semaphore_mem>>
        %dma_start3A_187 = tpu.memref_squeeze %dma_start3A_186 : memref<1x!tpu.dma_semaphore, #tpu.memory_space<semaphore_mem>> -> memref<!tpu.dma_semaphore, #tpu.memory_space<semaphore_mem>>
        %dma_start3A_188 = arith.constant 0 : i32
        %dma_start3A_189 = tpu.memref_slice %arg5[%add3A_180, %dma_start3A_188] : memref<409600x64xf32, #tpu.memory_space<hbm>> -> memref<128x64xf32, #tpu.memory_space<hbm>>
        %dma_start3A_190 = arith.constant 0 : i32
        %dma_start3A_191 = arith.constant 0 : i32
        %dma_start3A_192 = tpu.memref_slice %arg8[%rem3A_159, %dma_start3A_190, %dma_start3A_191] : memref<8x128x64xf32, #tpu.memory_space<vmem>> -> memref<1x128x64xf32, #tpu.memory_space<vmem>>
        %dma_start3A_193 = tpu.memref_squeeze %dma_start3A_192 : memref<1x128x64xf32, #tpu.memory_space<vmem>> -> memref<128x64xf32, #tpu.memory_space<vmem>>
        tpu.enqueue_dma source(%dma_start3A_193 : memref<128x64xf32, #tpu.memory_space<vmem>>) target(%dma_start3A_189 : memref<128x64xf32, #tpu.memory_space<hbm>>) target_semaphore(%dma_start3A_187 : memref<!tpu.dma_semaphore, #tpu.memory_space<semaphore_mem>>)
      } else {
      }
    }
    %scan3A_7 = arith.constant 106 : i32
    %add3A_8 = arith.constant 11776 : i32
    %add3A_9 = arith.addi %mul3A_2, %add3A_8 : i32
    %dma_wait3A = arith.constant 4 : i32
    %dma_wait3A_10 = arith.constant 4 : i32
    %dma_wait3A_11 = arith.constant 0 : i32
    %dma_wait3A_12 = arith.constant 0 : i32
    %dma_wait3A_13 = tpu.memref_slice %arg8[%dma_wait3A, %dma_wait3A_11, %dma_wait3A_12] : memref<8x128x64xf32, #tpu.memory_space<vmem>> -> memref<1x128x64xf32, #tpu.memory_space<vmem>>
    %dma_wait3A_14 = tpu.memref_squeeze %dma_wait3A_13 : memref<1x128x64xf32, #tpu.memory_space<vmem>> -> memref<128x64xf32, #tpu.memory_space<vmem>>
    %dma_wait3A_15 = arith.constant 0 : i32
    %dma_wait3A_16 = tpu.memref_slice %arg5[%add3A_9, %dma_wait3A_15] : memref<409600x64xf32, #tpu.memory_space<hbm>> -> memref<128x64xf32, #tpu.memory_space<hbm>>
    %dma_wait3A_17 = tpu.memref_slice %arg10[%dma_wait3A_10] : memref<8x!tpu.dma_semaphore, #tpu.memory_space<semaphore_mem>> -> memref<1x!tpu.dma_semaphore, #tpu.memory_space<semaphore_mem>>
    %dma_wait3A_18 = tpu.memref_squeeze %dma_wait3A_17 : memref<1x!tpu.dma_semaphore, #tpu.memory_space<semaphore_mem>> -> memref<!tpu.dma_semaphore, #tpu.memory_space<semaphore_mem>>
    %dma_wait3A_19 = arith.constant 0 : i32
    %dma_wait3A_20 = tpu.memref_slice %arg5[%add3A_9, %dma_wait3A_19] : memref<409600x64xf32, #tpu.memory_space<hbm>> -> memref<128x64xf32, #tpu.memory_space<hbm>>
    %dma_wait3A_21 = arith.constant 0 : i32
    %dma_wait3A_22 = arith.constant 0 : i32
    %dma_wait3A_23 = tpu.memref_slice %arg8[%dma_wait3A, %dma_wait3A_21, %dma_wait3A_22] : memref<8x128x64xf32, #tpu.memory_space<vmem>> -> memref<1x128x64xf32, #tpu.memory_space<vmem>>
    %dma_wait3A_24 = tpu.memref_squeeze %dma_wait3A_23 : memref<1x128x64xf32, #tpu.memory_space<vmem>> -> memref<128x64xf32, #tpu.memory_space<vmem>>
    tpu.wait_dma2 semaphore(%dma_wait3A_18 : memref<!tpu.dma_semaphore, #tpu.memory_space<semaphore_mem>>) src(%dma_wait3A_24 : memref<128x64xf32, #tpu.memory_space<vmem>>) dst(%dma_wait3A_20 : memref<128x64xf32, #tpu.memory_space<hbm>>)
    %add3A_25 = arith.constant 11904 : i32
    %add3A_26 = arith.addi %mul3A_2, %add3A_25 : i32
    %dma_wait3A_27 = arith.constant 5 : i32
    %dma_wait3A_28 = arith.constant 5 : i32
    %dma_wait3A_29 = arith.constant 0 : i32
    %dma_wait3A_30 = arith.constant 0 : i32
    %dma_wait3A_31 = tpu.memref_slice %arg8[%dma_wait3A_27, %dma_wait3A_29, %dma_wait3A_30] : memref<8x128x64xf32, #tpu.memory_space<vmem>> -> memref<1x128x64xf32, #tpu.memory_space<vmem>>
    %dma_wait3A_32 = tpu.memref_squeeze %dma_wait3A_31 : memref<1x128x64xf32, #tpu.memory_space<vmem>> -> memref<128x64xf32, #tpu.memory_space<vmem>>
    %dma_wait3A_33 = arith.constant 0 : i32
    %dma_wait3A_34 = tpu.memref_slice %arg5[%add3A_26, %dma_wait3A_33] : memref<409600x64xf32, #tpu.memory_space<hbm>> -> memref<128x64xf32, #tpu.memory_space<hbm>>
    %dma_wait3A_35 = tpu.memref_slice %arg10[%dma_wait3A_28] : memref<8x!tpu.dma_semaphore, #tpu.memory_space<semaphore_mem>> -> memref<1x!tpu.dma_semaphore, #tpu.memory_space<semaphore_mem>>
    %dma_wait3A_36 = tpu.memref_squeeze %dma_wait3A_35 : memref<1x!tpu.dma_semaphore, #tpu.memory_space<semaphore_mem>> -> memref<!tpu.dma_semaphore, #tpu.memory_space<semaphore_mem>>
    %dma_wait3A_37 = arith.constant 0 : i32
    %dma_wait3A_38 = tpu.memref_slice %arg5[%add3A_26, %dma_wait3A_37] : memref<409600x64xf32, #tpu.memory_space<hbm>> -> memref<128x64xf32, #tpu.memory_space<hbm>>
    %dma_wait3A_39 = arith.constant 0 : i32
    %dma_wait3A_40 = arith.constant 0 : i32
    %dma_wait3A_41 = tpu.memref_slice %arg8[%dma_wait3A_27, %dma_wait3A_39, %dma_wait3A_40] : memref<8x128x64xf32, #tpu.memory_space<vmem>> -> memref<1x128x64xf32, #tpu.memory_space<vmem>>
    %dma_wait3A_42 = tpu.memref_squeeze %dma_wait3A_41 : memref<1x128x64xf32, #tpu.memory_space<vmem>> -> memref<128x64xf32, #tpu.memory_space<vmem>>
    tpu.wait_dma2 semaphore(%dma_wait3A_36 : memref<!tpu.dma_semaphore, #tpu.memory_space<semaphore_mem>>) src(%dma_wait3A_42 : memref<128x64xf32, #tpu.memory_space<vmem>>) dst(%dma_wait3A_38 : memref<128x64xf32, #tpu.memory_space<hbm>>)
    %add3A_43 = arith.constant 12032 : i32
    %add3A_44 = arith.addi %mul3A_2, %add3A_43 : i32
    %dma_wait3A_45 = arith.constant 6 : i32
    %dma_wait3A_46 = arith.constant 6 : i32
    %dma_wait3A_47 = arith.constant 0 : i32
    %dma_wait3A_48 = arith.constant 0 : i32
    %dma_wait3A_49 = tpu.memref_slice %arg8[%dma_wait3A_45, %dma_wait3A_47, %dma_wait3A_48] : memref<8x128x64xf32, #tpu.memory_space<vmem>> -> memref<1x128x64xf32, #tpu.memory_space<vmem>>
    %dma_wait3A_50 = tpu.memref_squeeze %dma_wait3A_49 : memref<1x128x64xf32, #tpu.memory_space<vmem>> -> memref<128x64xf32, #tpu.memory_space<vmem>>
    %dma_wait3A_51 = arith.constant 0 : i32
    %dma_wait3A_52 = tpu.memref_slice %arg5[%add3A_44, %dma_wait3A_51] : memref<409600x64xf32, #tpu.memory_space<hbm>> -> memref<128x64xf32, #tpu.memory_space<hbm>>
    %dma_wait3A_53 = tpu.memref_slice %arg10[%dma_wait3A_46] : memref<8x!tpu.dma_semaphore, #tpu.memory_space<semaphore_mem>> -> memref<1x!tpu.dma_semaphore, #tpu.memory_space<semaphore_mem>>
    %dma_wait3A_54 = tpu.memref_squeeze %dma_wait3A_53 : memref<1x!tpu.dma_semaphore, #tpu.memory_space<semaphore_mem>> -> memref<!tpu.dma_semaphore, #tpu.memory_space<semaphore_mem>>
    %dma_wait3A_55 = arith.constant 0 : i32
    %dma_wait3A_56 = tpu.memref_slice %arg5[%add3A_44, %dma_wait3A_55] : memref<409600x64xf32, #tpu.memory_space<hbm>> -> memref<128x64xf32, #tpu.memory_space<hbm>>
    %dma_wait3A_57 = arith.constant 0 : i32
    %dma_wait3A_58 = arith.constant 0 : i32
    %dma_wait3A_59 = tpu.memref_slice %arg8[%dma_wait3A_45, %dma_wait3A_57, %dma_wait3A_58] : memref<8x128x64xf32, #tpu.memory_space<vmem>> -> memref<1x128x64xf32, #tpu.memory_space<vmem>>
    %dma_wait3A_60 = tpu.memref_squeeze %dma_wait3A_59 : memref<1x128x64xf32, #tpu.memory_space<vmem>> -> memref<128x64xf32, #tpu.memory_space<vmem>>
    tpu.wait_dma2 semaphore(%dma_wait3A_54 : memref<!tpu.dma_semaphore, #tpu.memory_space<semaphore_mem>>) src(%dma_wait3A_60 : memref<128x64xf32, #tpu.memory_space<vmem>>) dst(%dma_wait3A_56 : memref<128x64xf32, #tpu.memory_space<hbm>>)
    %add3A_61 = arith.constant 12160 : i32
    %add3A_62 = arith.addi %mul3A_2, %add3A_61 : i32
    %dma_wait3A_63 = arith.constant 7 : i32
    %dma_wait3A_64 = arith.constant 7 : i32
    %dma_wait3A_65 = arith.constant 0 : i32
    %dma_wait3A_66 = arith.constant 0 : i32
    %dma_wait3A_67 = tpu.memref_slice %arg8[%dma_wait3A_63, %dma_wait3A_65, %dma_wait3A_66] : memref<8x128x64xf32, #tpu.memory_space<vmem>> -> memref<1x128x64xf32, #tpu.memory_space<vmem>>
    %dma_wait3A_68 = tpu.memref_squeeze %dma_wait3A_67 : memref<1x128x64xf32, #tpu.memory_space<vmem>> -> memref<128x64xf32, #tpu.memory_space<vmem>>
    %dma_wait3A_69 = arith.constant 0 : i32
    %dma_wait3A_70 = tpu.memref_slice %arg5[%add3A_62, %dma_wait3A_69] : memref<409600x64xf32, #tpu.memory_space<hbm>> -> memref<128x64xf32, #tpu.memory_space<hbm>>
    %dma_wait3A_71 = tpu.memref_slice %arg10[%dma_wait3A_64] : memref<8x!tpu.dma_semaphore, #tpu.memory_space<semaphore_mem>> -> memref<1x!tpu.dma_semaphore, #tpu.memory_space<semaphore_mem>>
    %dma_wait3A_72 = tpu.memref_squeeze %dma_wait3A_71 : memref<1x!tpu.dma_semaphore, #tpu.memory_space<semaphore_mem>> -> memref<!tpu.dma_semaphore, #tpu.memory_space<semaphore_mem>>
    %dma_wait3A_73 = arith.constant 0 : i32
    %dma_wait3A_74 = tpu.memref_slice %arg5[%add3A_62, %dma_wait3A_73] : memref<409600x64xf32, #tpu.memory_space<hbm>> -> memref<128x64xf32, #tpu.memory_space<hbm>>
    %dma_wait3A_75 = arith.constant 0 : i32
    %dma_wait3A_76 = arith.constant 0 : i32
    %dma_wait3A_77 = tpu.memref_slice %arg8[%dma_wait3A_63, %dma_wait3A_75, %dma_wait3A_76] : memref<8x128x64xf32, #tpu.memory_space<vmem>> -> memref<1x128x64xf32, #tpu.memory_space<vmem>>
    %dma_wait3A_78 = tpu.memref_squeeze %dma_wait3A_77 : memref<1x128x64xf32, #tpu.memory_space<vmem>> -> memref<128x64xf32, #tpu.memory_space<vmem>>
    tpu.wait_dma2 semaphore(%dma_wait3A_72 : memref<!tpu.dma_semaphore, #tpu.memory_space<semaphore_mem>>) src(%dma_wait3A_78 : memref<128x64xf32, #tpu.memory_space<vmem>>) dst(%dma_wait3A_74 : memref<128x64xf32, #tpu.memory_space<hbm>>)
    %add3A_79 = arith.constant 12288 : i32
    %add3A_80 = arith.addi %mul3A_2, %add3A_79 : i32
    %dma_wait3A_81 = arith.constant 0 : i32
    %dma_wait3A_82 = arith.constant 0 : i32
    %dma_wait3A_83 = arith.constant 0 : i32
    %dma_wait3A_84 = arith.constant 0 : i32
    %dma_wait3A_85 = tpu.memref_slice %arg8[%dma_wait3A_81, %dma_wait3A_83, %dma_wait3A_84] : memref<8x128x64xf32, #tpu.memory_space<vmem>> -> memref<1x128x64xf32, #tpu.memory_space<vmem>>
    %dma_wait3A_86 = tpu.memref_squeeze %dma_wait3A_85 : memref<1x128x64xf32, #tpu.memory_space<vmem>> -> memref<128x64xf32, #tpu.memory_space<vmem>>
    %dma_wait3A_87 = arith.constant 0 : i32
    %dma_wait3A_88 = tpu.memref_slice %arg5[%add3A_80, %dma_wait3A_87] : memref<409600x64xf32, #tpu.memory_space<hbm>> -> memref<128x64xf32, #tpu.memory_space<hbm>>
    %dma_wait3A_89 = tpu.memref_slice %arg10[%dma_wait3A_82] : memref<8x!tpu.dma_semaphore, #tpu.memory_space<semaphore_mem>> -> memref<1x!tpu.dma_semaphore, #tpu.memory_space<semaphore_mem>>
    %dma_wait3A_90 = tpu.memref_squeeze %dma_wait3A_89 : memref<1x!tpu.dma_semaphore, #tpu.memory_space<semaphore_mem>> -> memref<!tpu.dma_semaphore, #tpu.memory_space<semaphore_mem>>
    %dma_wait3A_91 = arith.constant 0 : i32
    %dma_wait3A_92 = tpu.memref_slice %arg5[%add3A_80, %dma_wait3A_91] : memref<409600x64xf32, #tpu.memory_space<hbm>> -> memref<128x64xf32, #tpu.memory_space<hbm>>
    %dma_wait3A_93 = arith.constant 0 : i32
    %dma_wait3A_94 = arith.constant 0 : i32
    %dma_wait3A_95 = tpu.memref_slice %arg8[%dma_wait3A_81, %dma_wait3A_93, %dma_wait3A_94] : memref<8x128x64xf32, #tpu.memory_space<vmem>> -> memref<1x128x64xf32, #tpu.memory_space<vmem>>
    %dma_wait3A_96 = tpu.memref_squeeze %dma_wait3A_95 : memref<1x128x64xf32, #tpu.memory_space<vmem>> -> memref<128x64xf32, #tpu.memory_space<vmem>>
    tpu.wait_dma2 semaphore(%dma_wait3A_90 : memref<!tpu.dma_semaphore, #tpu.memory_space<semaphore_mem>>) src(%dma_wait3A_96 : memref<128x64xf32, #tpu.memory_space<vmem>>) dst(%dma_wait3A_92 : memref<128x64xf32, #tpu.memory_space<hbm>>)
    %add3A_97 = arith.constant 12416 : i32
    %add3A_98 = arith.addi %mul3A_2, %add3A_97 : i32
    %dma_wait3A_99 = arith.constant 1 : i32
    %dma_wait3A_100 = arith.constant 1 : i32
    %dma_wait3A_101 = arith.constant 0 : i32
    %dma_wait3A_102 = arith.constant 0 : i32
    %dma_wait3A_103 = tpu.memref_slice %arg8[%dma_wait3A_99, %dma_wait3A_101, %dma_wait3A_102] : memref<8x128x64xf32, #tpu.memory_space<vmem>> -> memref<1x128x64xf32, #tpu.memory_space<vmem>>
    %dma_wait3A_104 = tpu.memref_squeeze %dma_wait3A_103 : memref<1x128x64xf32, #tpu.memory_space<vmem>> -> memref<128x64xf32, #tpu.memory_space<vmem>>
    %dma_wait3A_105 = arith.constant 0 : i32
    %dma_wait3A_106 = tpu.memref_slice %arg5[%add3A_98, %dma_wait3A_105] : memref<409600x64xf32, #tpu.memory_space<hbm>> -> memref<128x64xf32, #tpu.memory_space<hbm>>
    %dma_wait3A_107 = tpu.memref_slice %arg10[%dma_wait3A_100] : memref<8x!tpu.dma_semaphore, #tpu.memory_space<semaphore_mem>> -> memref<1x!tpu.dma_semaphore, #tpu.memory_space<semaphore_mem>>
    %dma_wait3A_108 = tpu.memref_squeeze %dma_wait3A_107 : memref<1x!tpu.dma_semaphore, #tpu.memory_space<semaphore_mem>> -> memref<!tpu.dma_semaphore, #tpu.memory_space<semaphore_mem>>
    %dma_wait3A_109 = arith.constant 0 : i32
    %dma_wait3A_110 = tpu.memref_slice %arg5[%add3A_98, %dma_wait3A_109] : memref<409600x64xf32, #tpu.memory_space<hbm>> -> memref<128x64xf32, #tpu.memory_space<hbm>>
    %dma_wait3A_111 = arith.constant 0 : i32
    %dma_wait3A_112 = arith.constant 0 : i32
    %dma_wait3A_113 = tpu.memref_slice %arg8[%dma_wait3A_99, %dma_wait3A_111, %dma_wait3A_112] : memref<8x128x64xf32, #tpu.memory_space<vmem>> -> memref<1x128x64xf32, #tpu.memory_space<vmem>>
    %dma_wait3A_114 = tpu.memref_squeeze %dma_wait3A_113 : memref<1x128x64xf32, #tpu.memory_space<vmem>> -> memref<128x64xf32, #tpu.memory_space<vmem>>
    tpu.wait_dma2 semaphore(%dma_wait3A_108 : memref<!tpu.dma_semaphore, #tpu.memory_space<semaphore_mem>>) src(%dma_wait3A_114 : memref<128x64xf32, #tpu.memory_space<vmem>>) dst(%dma_wait3A_110 : memref<128x64xf32, #tpu.memory_space<hbm>>)
    %add3A_115 = arith.constant 12544 : i32
    %add3A_116 = arith.addi %mul3A_2, %add3A_115 : i32
    %dma_wait3A_117 = arith.constant 2 : i32
    %dma_wait3A_118 = arith.constant 2 : i32
    %dma_wait3A_119 = arith.constant 0 : i32
    %dma_wait3A_120 = arith.constant 0 : i32
    %dma_wait3A_121 = tpu.memref_slice %arg8[%dma_wait3A_117, %dma_wait3A_119, %dma_wait3A_120] : memref<8x128x64xf32, #tpu.memory_space<vmem>> -> memref<1x128x64xf32, #tpu.memory_space<vmem>>
    %dma_wait3A_122 = tpu.memref_squeeze %dma_wait3A_121 : memref<1x128x64xf32, #tpu.memory_space<vmem>> -> memref<128x64xf32, #tpu.memory_space<vmem>>
    %dma_wait3A_123 = arith.constant 0 : i32
    %dma_wait3A_124 = tpu.memref_slice %arg5[%add3A_116, %dma_wait3A_123] : memref<409600x64xf32, #tpu.memory_space<hbm>> -> memref<128x64xf32, #tpu.memory_space<hbm>>
    %dma_wait3A_125 = tpu.memref_slice %arg10[%dma_wait3A_118] : memref<8x!tpu.dma_semaphore, #tpu.memory_space<semaphore_mem>> -> memref<1x!tpu.dma_semaphore, #tpu.memory_space<semaphore_mem>>
    %dma_wait3A_126 = tpu.memref_squeeze %dma_wait3A_125 : memref<1x!tpu.dma_semaphore, #tpu.memory_space<semaphore_mem>> -> memref<!tpu.dma_semaphore, #tpu.memory_space<semaphore_mem>>
    %dma_wait3A_127 = arith.constant 0 : i32
    %dma_wait3A_128 = tpu.memref_slice %arg5[%add3A_116, %dma_wait3A_127] : memref<409600x64xf32, #tpu.memory_space<hbm>> -> memref<128x64xf32, #tpu.memory_space<hbm>>
    %dma_wait3A_129 = arith.constant 0 : i32
    %dma_wait3A_130 = arith.constant 0 : i32
    %dma_wait3A_131 = tpu.memref_slice %arg8[%dma_wait3A_117, %dma_wait3A_129, %dma_wait3A_130] : memref<8x128x64xf32, #tpu.memory_space<vmem>> -> memref<1x128x64xf32, #tpu.memory_space<vmem>>
    %dma_wait3A_132 = tpu.memref_squeeze %dma_wait3A_131 : memref<1x128x64xf32, #tpu.memory_space<vmem>> -> memref<128x64xf32, #tpu.memory_space<vmem>>
    tpu.wait_dma2 semaphore(%dma_wait3A_126 : memref<!tpu.dma_semaphore, #tpu.memory_space<semaphore_mem>>) src(%dma_wait3A_132 : memref<128x64xf32, #tpu.memory_space<vmem>>) dst(%dma_wait3A_128 : memref<128x64xf32, #tpu.memory_space<hbm>>)
    %add3A_133 = arith.constant 12672 : i32
    %add3A_134 = arith.addi %mul3A_2, %add3A_133 : i32
    %dma_wait3A_135 = arith.constant 3 : i32
    %dma_wait3A_136 = arith.constant 3 : i32
    %dma_wait3A_137 = arith.constant 0 : i32
    %dma_wait3A_138 = arith.constant 0 : i32
    %dma_wait3A_139 = tpu.memref_slice %arg8[%dma_wait3A_135, %dma_wait3A_137, %dma_wait3A_138] : memref<8x128x64xf32, #tpu.memory_space<vmem>> -> memref<1x128x64xf32, #tpu.memory_space<vmem>>
    %dma_wait3A_140 = tpu.memref_squeeze %dma_wait3A_139 : memref<1x128x64xf32, #tpu.memory_space<vmem>> -> memref<128x64xf32, #tpu.memory_space<vmem>>
    %dma_wait3A_141 = arith.constant 0 : i32
    %dma_wait3A_142 = tpu.memref_slice %arg5[%add3A_134, %dma_wait3A_141] : memref<409600x64xf32, #tpu.memory_space<hbm>> -> memref<128x64xf32, #tpu.memory_space<hbm>>
    %dma_wait3A_143 = tpu.memref_slice %arg10[%dma_wait3A_136] : memref<8x!tpu.dma_semaphore, #tpu.memory_space<semaphore_mem>> -> memref<1x!tpu.dma_semaphore, #tpu.memory_space<semaphore_mem>>
    %dma_wait3A_144 = tpu.memref_squeeze %dma_wait3A_143 : memref<1x!tpu.dma_semaphore, #tpu.memory_space<semaphore_mem>> -> memref<!tpu.dma_semaphore, #tpu.memory_space<semaphore_mem>>
    %dma_wait3A_145 = arith.constant 0 : i32
    %dma_wait3A_146 = tpu.memref_slice %arg5[%add3A_134, %dma_wait3A_145] : memref<409600x64xf32, #tpu.memory_space<hbm>> -> memref<128x64xf32, #tpu.memory_space<hbm>>
    %dma_wait3A_147 = arith.constant 0 : i32
    %dma_wait3A_148 = arith.constant 0 : i32
    %dma_wait3A_149 = tpu.memref_slice %arg8[%dma_wait3A_135, %dma_wait3A_147, %dma_wait3A_148] : memref<8x128x64xf32, #tpu.memory_space<vmem>> -> memref<1x128x64xf32, #tpu.memory_space<vmem>>
    %dma_wait3A_150 = tpu.memref_squeeze %dma_wait3A_149 : memref<1x128x64xf32, #tpu.memory_space<vmem>> -> memref<128x64xf32, #tpu.memory_space<vmem>>
    tpu.wait_dma2 semaphore(%dma_wait3A_144 : memref<!tpu.dma_semaphore, #tpu.memory_space<semaphore_mem>>) src(%dma_wait3A_150 : memref<128x64xf32, #tpu.memory_space<vmem>>) dst(%dma_wait3A_146 : memref<128x64xf32, #tpu.memory_space<hbm>>)
    return
  }
}

</mosaic_0001>

<sc_bundles>
// kernel: kernel.3.cloned.1.call-start
scs
__scs_entry_jumppad:
0x0: {  	(pc) =	sbr.rel $0x88, $3  }
0x1: {  	(tag) =	ssettag $0x0;
	lr =	simm.s32 $0x1  }
0x2: {  	[smem:$0x3F9E] =	sst lr;
	_ =	strace $0xD0000000  }
0x3: {  	_ = 	snop  }
0x4: {  	_ = 	snop  }
0x5: {  	_ = 	snop  }
0x6: {  	_ = 	snop  }
0x7: {  	_ = 	snop  }
__scs_overlays_trampoline_lowered:
0x8: {  	[smem:$0x3FAD] =	sst s0  }
0x9: {  	[smem:$0x3FAE] =	sst s1  }
0xa: {  	[smem:$0x3FAF] =	sst s2  }
0xb: {  	[smem:$0x3FB0] =	sst s3  }
0xc: {  	[smem:$0x3FB1] =	sst s4  }
0xd: {  	[smem:$0x3FB2] =	sst s5  }
0xe: {  	[smem:$0x3FB3] =	sst s6  }
0xf: {  	[smem:$0x3FB4] =	sst s7  }
0x10: {  	[smem:$0x3FB5] =	sst s8  }
0x11: {  	[smem:$0x3FB6] =	sst s9;
	s0 =	simm.s32 @!p0 $0x0  }
0x12: {  	s1 =	sld [smem:$0x3F9C];
	s0 =	simm.s32 @p0 $0x1  }
0x13: {  	[smem:$0x3FB7] =	sst s0;
	s0 =	simm.s32 @!p1 $0x0  }
0x14: {  	s2 =	sld [smem:$0x3F9B];
	s0 =	simm.s32 @p1 $0x1  }
0x15: {  	[smem:$0x3FB8] =	sst s0;
	s0 =	simm.s32 @!p2 $0x0  }
0x16: {  	s3 =	sld [smem:$0x3FDB];
	s0 =	simm.s32 @p2 $0x1  }
0x17: {  	s4 =	simm.s32 $0x1BF5;
	[smem:$0x3FBA] =	sst s0  }
0x18: {  	s0 =	sld [smem:$0x3F9D];
	_ =	swait.ge [sflag:s4], $0x0  }
0x19: {  	s7 =	sld [smem:$0x3F9E]  }
0x1a: {  	s8 =	sadd.s32 $0xFFFFE003, lr  }
0x1b: {  	s9 =	sadd.s32 $0xFFFFFEF7, lr;
	s5 =	simm.s32 $0xFFFFFFFF;
	p2 =	slt.u32 s8, $0xFFFFF086  }
0x1c: {  	p1 =	slt.u32 s9, $0xF7A;
	s5 =	simm.s32 @!p2 $0x0  }
0x1d: {  	s5 =	simm.s32 @p1 $0x1;
	p0 =	seq.s32 s7, s2  }
0x1e: {  	s7 =	smul.u32 @!p0 $0xF7A, s2;
	p2 =	seq.s32 @!p0 s5, $0x0  }
0x1f: {  	s9 =	smul.u32 $0xF7A, s1;
	s8 =	simm.s32 @!p0 $0x1BF5;
	p2 =	por !p2, p0  }
0x20: {  	[sflag:s8] =	ssyncset.s32 @!p0 $0xFFFFF086;
	s6 =	sadd.s32 @!p0 s3, s7;
	s7 =	simm.s32 @!p0 $0x108  }
0x21: {  	s3 =	sadd.s32 s3, s9;
	s6 =	sadd.s32 @!p0 $0x88, s6;
	s7 =	simm.s32 @p2 $0x1082  }
0x22: {  	[simem:s7], [sflag:s8] =	dma.local @!p0 [hbm:s6], $0xF7A  }
0x23: {  	s9 =	sor.u32 $0xD0000000, s2;
	s6 =	simm.s32 $0x108;
	_ =	swait.ge @!p0 [sflag:s8], $0x0  }
0x24: {  	s3 =	sadd.s32 $0x88, s3;
	s6 =	simm.s32 @!p1 $0x1082;
	[sflag:s4] =	ssyncset.s32 $0xFFFFF086  }
0x25: {  	[simem:s6], [sflag:s4] =	dma.local [hbm:s3], $0xF7A  }
0x26: {  	[smem:$0x3F9E] =	sst s1;
	(tag) =	ssettag s2;
	_ =	strace s9  }
0x27: {  	s1 =	sld [smem:$0x3FAE]  }
0x28: {  	s2 =	sld [smem:$0x3FAF]  }
0x29: {  	s4 =	sld [smem:$0x3FB1]  }
0x2a: {  	p0 =	seq.s32 s5, $0x0;
	s5 =	sld [smem:$0x3FB2]  }
0x2b: {  	s6 =	sld [smem:$0x3FB3]  }
0x2c: {  	s7 =	sld [smem:$0x3FB4]  }
0x2d: {  	s3 =	simm.s32 $0x108;
	s8 =	sld [smem:$0x3FB5]  }
0x2e: {  	s3 =	simm.s32 @!p0 $0x1082;
	s9 =	sld [smem:$0x3FB6]  }
0x2f: {  	lr =	sadd.s32 s0, s3;
	s0 =	sld [smem:$0x3FAD]  }
0x30: {  	s3 =	sld [smem:$0x3FB0]  }
0x31: {  	[smem:$0x3FB9] =	sst s10  }
0x32: {  	s10 =	sld [smem:$0x3FB7];
	_ =	sdelay $0x3  }
0x33: {  	p0 =	seq.s32 s10, $0x1;
	s10 =	sld [smem:$0x3FB9];
	_ =	sdelay $0x3  }
0x34: {  	[smem:$0x3FB9] =	sst s10  }
0x35: {  	s10 =	sld [smem:$0x3FB8];
	_ =	sdelay $0x3  }
0x36: {  	p1 =	seq.s32 s10, $0x1;
	s10 =	sld [smem:$0x3FB9];
	_ =	sdelay $0x3  }
0x37: {  	[smem:$0x3FB9] =	sst s10  }
0x38: {  	s10 =	sld [smem:$0x3FBA]  }
0x39: {  	_ = 	snop;
	(pc) =	sbr.ind lr, $3  }
0x3a: {  	_ = 	snop  }
0x3b: {  	_ = 	snop  }
0x3c: {  	p2 =	seq.s32 s10, $0x1;
	s10 =	sld [smem:$0x3FB9]  }
0x3d: {  	_ =	shalt  }
0x3e: {  	_ =	shalt  }
0x3f: {  	_ =	shalt  }
0x40: {  	_ =	shalt  }
0x41: {  	_ =	shalt  }
0x42: {  	_ =	shalt  }
0x43: {  	_ =	shalt  }
0x44: {  	_ =	shalt  }
0x45: {  	_ =	shalt  }
0x46: {  	_ =	shalt  }
0x47: {  	_ =	shalt  }
0x48: {  	_ =	shalt  }
0x49: {  	_ =	shalt  }
0x4a: {  	_ =	shalt  }
0x4b: {  	_ =	shalt  }
0x4c: {  	_ =	shalt  }
0x4d: {  	_ =	shalt  }
0x4e: {  	_ =	shalt  }
0x4f: {  	_ =	shalt  }
0x50: {  	_ =	shalt  }
0x51: {  	_ =	shalt  }
0x52: {  	_ =	shalt  }
0x53: {  	_ =	shalt  }
0x54: {  	_ =	shalt  }
0x55: {  	_ =	shalt  }
0x56: {  	_ =	shalt  }
0x57: {  	_ =	shalt  }
0x58: {  	_ =	shalt  }
0x59: {  	_ =	shalt  }
0x5a: {  	_ =	shalt  }
0x5b: {  	_ =	shalt  }
0x5c: {  	_ =	shalt  }
0x5d: {  	_ =	shalt  }
0x5e: {  	_ =	shalt  }
0x5f: {  	_ =	shalt  }
0x60: {  	_ =	shalt  }
0x61: {  	_ =	shalt  }
0x62: {  	_ =	shalt  }
0x63: {  	_ =	shalt  }
0x64: {  	_ =	shalt  }
0x65: {  	_ =	shalt  }
0x66: {  	_ =	shalt  }
0x67: {  	_ =	shalt  }
0x68: {  	_ =	shalt  }
0x69: {  	_ =	shalt  }
0x6a: {  	_ =	shalt  }
0x6b: {  	_ =	shalt  }
0x6c: {  	_ =	shalt  }
0x6d: {  	_ =	shalt  }
0x6e: {  	_ =	shalt  }
0x6f: {  	_ =	shalt  }
0x70: {  	_ =	shalt  }
0x71: {  	_ =	shalt  }
0x72: {  	_ =	shalt  }
0x73: {  	_ =	shalt  }
0x74: {  	_ =	shalt  }
0x75: {  	_ =	shalt  }
0x76: {  	_ =	shalt  }
0x77: {  	_ =	shalt  }
0x78: {  	_ =	shalt  }
0x79: {  	_ =	shalt  }
0x7a: {  	_ =	shalt  }
0x7b: {  	_ =	shalt  }
0x7c: {  	_ =	shalt  }
0x7d: {  	_ =	shalt  }
0x7e: {  	_ =	shalt  }
0x7f: {  	_ =	shalt  }
0x80: {  	_ =	shalt  }
0x81: {  	_ =	shalt  }
0x82: {  	_ =	shalt  }
0x83: {  	_ =	shalt  }
0x84: {  	_ =	shalt  }
0x85: {  	_ =	shalt  }
0x86: {  	_ =	shalt  }
0x87: {  	_ =	shalt  }
.Lfunc_end0:
.L_simem_size_0:
called_computation.1_lowered:
.L_overlay_start_0:
0x88: {  	s2 =	sld [smem:$0x3FD9]  }
0x89: {  	s3 =	sld [smem:$0x3FFE];
	_ =	sdelay $0x1  }
0x8a: {  	s1 =	srdreg.scid  }
0x8b: {  	s0 =	sand.u32 $0x1, s1  }
0x8c: {  	s17 =	sshll.u32 s0, $0xA;
	s2 =	sadd.s32 s3, s2  }
0x8d: {  	s2 =	sadd.s32 s2, s17  }
0x8e: {  	[smem:$0x3FC5] =	sst s2  }
0x8f: {  	_ = 	snop  }
0x90: {  	s2 =	sld [smem:$0x3FD0];
	(tm) =	ssettm $0x1  }
0x91: {  	s18 =	sld [smem:$0x3FFB];
	_ =	sdelay $0x3  }
0x92: {  	_ =	strace s18  }
0x93: {  	s3 =	sld [smem:$0x3FFC];
	_ =	sdelay $0x3  }
0x94: {  	_ =	strace s3  }
0x95: {  	s3 =	sld [smem:$0x3FFD];
	_ =	sdelay $0x3  }
0x96: {  	_ =	strace s3  }
0x97: {  	_ =	strace $0x8FFFFFFF  }
0x98: {  	s19 =	sld [smem:$0x3FDB];
	_ =	sdelay $0x1  }
0x99: {  	s4 =	simm.s32 $_scs_section_size  }
0x9a: {  	s5 =	simm.s32 $_size__tile_overlayer_lowered;
	s6 =	simm.s32 $_tile_overlayer_lowered  }
0x9b: {  	s22 =	simm.s32 $0x1BFF;
	s21 =	sshll.u32 s6, $0x1;
	s3 =	sadd.s32 s4, s19  }
0x9c: {  	s7 =	simm.s32 $0x0;
	s20 =	sshll.u32 s5, $0x1;
	s5 =	sadd.s32 s21, s3  }
0x9d: {  	[timem:s7], [sflag:s22] =	dma.local [hbm:s5], s20  }
0x9e: {  	_ =	swait.ge [sflag:s22], s20  }
0x9f: {  	s4 =	ssub.s32 $0x0, s20;
	[sflag:s22] =	ssyncset.done $0x0  }
0xa0: {  	[sflag:s22] =	ssyncadd.s32 s4;
	_ =	sdelay $0x1  }
0xa1: {  	s23 =	simm.s32 $0x1B8B  }
0xa2: {  	_ =	swait.ge [sflag:s23], $0x1  }
0xa3: {  	[sflag:s23] =	ssyncset.done $0x0  }
0xa4: {  	s25 =	simm.s32 $0x1B8E;
	s24 =	sld [smem:$0x3FFE];
	[sflag:s23] =	ssyncadd.s32 $0xFFFFFFFF  }
0xa5: {  	s26 =	simm.s32 $execute0_lowered;
	[smem:$0x3FD2] =	sst s25  }
0xa6: {  	s5 =	sshll.u32 s26, $0x1;
	_ =	strace $0x80000046;
	[dreg:$0x1] =	wrdreg $0xFFFFFFFF  }
0xa7: {  	s28 =	simm.s32 $_size_execute0_lowered;
	s3 =	sadd.s32 s3, s5;
	[dreg:$0x0] =	wrdreg $0x0  }
0xa8: {  	s5 =	sshll.u32 s28, $0x1;
	[dreg:$0x2] =	wrdreg s3  }
0xa9: {  	[dreg:$0x3] =	wrdreg s5  }
0xaa: {  	[dreg:$0x4] =	wrdreg $0xC0  }
0xab: {  	_ =	task [dreg:s7], $0x5FFFF  }
0xac: {  	[dreg:$0x1] =	wrdreg $0xFFFFFFFF  }
0xad: {  	[dreg:$0x0] =	wrdreg $0x60  }
0xae: {  	[dreg:$0x2] =	wrdreg s24  }
0xaf: {  	[dreg:$0x3] =	wrdreg s2  }
0xb0: {  	[dreg:$0x4] =	wrdreg $0x9  }
0xb1: {  	_ =	task.clear_ibuf [dreg:s7], $0x5FFFF;
	_ =	strace $0x90000046  }
0xb2: {  	s29 =	simm.s32 $0x9;
	_ =	strace $0x80000048  }
0xb3: {  	_ =	swait.ge [sflag:s29], $0x1  }
0xb4: {  	[sflag:s29] =	ssyncadd.s32 $0xFFFFFFFF  }
0xb5: {  	_ =	strace $0x90000048  }
0xb6: {  	_ =	sfence  }
0xb7: {  	s30 =	sld [smem:$0x0];
	_ =	sdelay $0x2  }
0xb8: {  	s31 =	sshll.u32 s1, $0xD;
	s1 =	sshrl.u32 s1, $0x2  }
0xb9: {  	s3 =	sand.u32 $0x4000, s31;
	s1 =	sadd.s32 s1, s30  }
0xba: {  	s0 =	sor.u32 s3, s0;
	s1 =	sshll.u32 s1, $0x11  }
0xbb: {  	s0 =	sor.u32 s1, s0  }
0xbc: {  	s0 =	sadd.s32 $0x8F2B, s0  }
0xbd: {  	[sflag:s0] =	ssyncadd.remote.s32 $0x1  }
0xbe: {  	_ =	sfence.sel $0xFFFF  }
0xbf: {  	[dreg:$0x0] =	wrdreg $0xFFFFFFFF;
	(pc) =	sbr.abs _section_cstart, $3  }
0xc0: {  	[dreg:$0x1] =	wrdreg $0xFFFFFFFF  }
0xc1: {  	_ =	task.clear_ibuf [dreg:s7], $0x2FFFF;
	_ =	strace $0x9FFFFFFF  }
0xc2: {  	(tm) =	ssettm $0x7FFFFFFF  }
0xc3: {  	_ =	shalt  }
tec
execute0_lowered:
.L_overlay_start_1:
0x0: {  	(tag) =	ssettag $0x1  }
0x1: {  	s1 =	srdreg.scid  }
0x2: {  	s0 =	stileid.u32;
	s6 =	rddreg [dreg:$0x0]  }
0x3: {  	s2 =	rddreg [dreg:$0x1];
	s9 =	simm.s32 $0x11;
	s10 =	simm.s32 $0x3200  }
0x4: {  	s11 =	simm.s32 $0x80;
	s12 =	simm.s32 $0xD;
	s13 =	simm.s32 $0xE  }
0x5: {  	s14 =	simm.s32 $0xF;
	s1 =	sand.u32 $0x1, s1;
	s3 =	sshll.u32 s0, $0x1  }
0x6: {  	s15 =	simm.s32 $0x10;
	s16 =	simm.s32 $0x9;
	s4 =	sor.u32 s1, s3  }
0x7: {  	s17 =	simm.s32 $0xA;
	s18 =	simm.s32 $0xB;
	s4 =	smul.u32 $0x3200, s4  }
.Ltmp0:
0x8: {  	s19 =	simm.s32 $0xC;
	s20 =	simm.s32 $0x0;
	(pc) =	sbr.rel .LBB2_1-.Ltmp0, $4  }
0x9: {  	s5 =	sadd.s32 $0xDA00, s6;
	s3 =	simm.s32 $0x0;
	s1 =	ssub.s32 $0x2, s1  }
0xa: {  	[smem:$0x7FF] =	sst s3;
	s8 =	sshrl.u32 s1, $0x1;
	s7 =	sshrl.u32 s4, $0x3  }
0xb: {  	_ =	strace $0x80000047;
	s1 =	ssub.s32 s1, s8;
	s7 =	sadd.s32 s7, s6  }
0xc: {  	s8 =	smax.u32 s1, $0x1;
	s6 =	sadd.s32 $0x800, s6;
	s7 =	sadd.s32 $0x1200, s7  }
.LBB2_10:
0xd: {  	_ =	swait.ge [sflag:s12], $0x2000  }
0xe: {  	[sflag:s12] =	ssyncset.done $0x0  }
0xf: {  	[sflag:s12] =	ssyncadd.s32 $0xFFFFE000  }
0x10: {  	_ =	swait.ge [sflag:s13], $0x2000  }
0x11: {  	[sflag:s13] =	ssyncset.done $0x0  }
0x12: {  	[sflag:s13] =	ssyncadd.s32 $0xFFFFE000  }
0x13: {  	_ =	swait.ge [sflag:s14], $0x2000  }
0x14: {  	[sflag:s14] =	ssyncset.done $0x0  }
0x15: {  	[sflag:s14] =	ssyncadd.s32 $0xFFFFE000  }
0x16: {  	_ =	swait.ge [sflag:s15], $0x2000  }
0x17: {  	[sflag:s15] =	ssyncset.done $0x0  }
0x18: {  	[sflag:s15] =	ssyncadd.s32 $0xFFFFE000  }
0x19: {  	_ =	swait.ge [sflag:s16], $0x2000  }
0x1a: {  	[sflag:s16] =	ssyncset.done $0x0  }
0x1b: {  	[sflag:s16] =	ssyncadd.s32 $0xFFFFE000  }
0x1c: {  	_ =	swait.ge [sflag:s17], $0x2000  }
0x1d: {  	[sflag:s17] =	ssyncset.done $0x0  }
0x1e: {  	s20 =	sadd.s32 $0x1, s20;
	[sflag:s17] =	ssyncadd.s32 $0xFFFFE000  }
0x1f: {  	p0 =	sne.s32 s20, s8;
	_ =	swait.ge [sflag:s18], $0x2000  }
.Ltmp1:
0x20: {  	[sflag:s18] =	ssyncset.done $0x0;
	(pc) =	sbr.rel @!p0 .LBB2_11-.Ltmp1, $4  }
0x21: {  	[sflag:s18] =	ssyncadd.s32 $0xFFFFE000  }
0x22: {  	_ =	swait.ge [sflag:s19], $0x2000  }
0x23: {  	[sflag:s19] =	ssyncset.done $0x0  }
0x24: {  	[sflag:s19] =	ssyncadd.s32 $0xFFFFE000  }
.LBB2_1:
0x25: {  	[tilespmem:s3], [sflag:$0x11] =	stream.linear.gather [hbm4b:s7+s3], $0x3200, $0x38;
	[tilespmem:$0x17D00] =	vst v63  }
0x26: {  	_ =	swait.ge [sflag:s9], $0x3200  }
0x27: {  	[sflag:s9] =	ssyncset.done $0x0  }
.Ltmp2:
0x28: {  	[sflag:s9] =	ssyncadd.s32 $0xFFFFCE00;
	(pc) =	sbr.rel .LBB2_2-.Ltmp2, $4  }
0x29: {  	[tilespmem:s10], [sflag:$0x11] =	stream.linear.gather [hbm4b:s6+s3], $0x4B00, $0x38;
	[tilespmem:$0x17D00] =	vst v63  }
0x2a: {  	_ =	swait.ge [sflag:s9], $0x4B00  }
0x2b: {  	s21 =	simm.s32 $0x2;
	[sflag:s9] =	ssyncset.done $0x0  }
0x2c: {  	s22 =	simm.s32 $0xFD00;
	s23 =	simm.s32 $0x0;
	[sflag:s9] =	ssyncadd.s32 $0xFFFFB500  }
.LBB2_9:
0x2d: {  	s23 =	sadd.s32 $0x1, s23  }
0x2e: {  	p0 =	sne.s32 s23, $0x6A  }
.Ltmp3:
0x2f: {  	_ = 	snop;
	(pc) =	sbr.rel @!p0 .LBB2_10-.Ltmp3, $2  }
0x30: {  	_ =	sdelay $0x2  }
0x31: {  	s21 =	sadd.s32 $0x1, s21;
	s22 =	sadd.s32 $0x80, s22  }
.LBB2_2:
0x32: {  	p0 =	sgt.u32 s23, $0x63  }
.Ltmp4:
0x33: {  	_ = 	snop;
	(pc) =	sbr.rel @p0 .LBB2_6-.Ltmp4, $1  }
0x34: {  	_ =	sdelay $0x3  }
0x35: {  	p0 =	slt.u32 s23, $0x8  }
.Ltmp5:
0x36: {  	_ = 	snop;
	(pc) =	sbr.rel @p0 .LBB2_5-.Ltmp5, $2  }
0x37: {  	_ =	sdelay $0x2  }
0x38: {  	s1 =	sand.u32 $0x7, s23  }
.Ltmp6:
0x39: {  	s24 =	sadd.s32 $0x9, s1;
	(pc) =	sbr.rel .LBB2_6-.Ltmp6, $4  }
0x3a: {  	s30 =	sshll.u32 s1, $0xD;
	_ =	swait.ge [sflag:s24], $0x2000  }
0x3b: {  	s25 =	sshll.u32 s23, $0x7;
	s31 =	sadd.s32 $0x1, s1;
	[sflag:s24] =	ssyncset.done $0x0  }
0x3c: {  	s25 =	sand.u32 $0x3FFFFF80, s25;
	[sflag:s24] =	ssyncadd.s32 $0xFFFFE000;
	s24 =	sadd.s32 $0x7D00, s30  }
0x3d: {  	[tilespmem:s24], [sflag:s31] =	stream.indirect.gather [hbm4b:s5+s11], $0x40, s25, s11, $0xb8;
	[tilespmem:$0x17D00] =	vst v63  }
.LBB2_5:
0x3e: {  	p0 =	slt.u32 s23, $0x6  }
.Ltmp7:
0x3f: {  	_ = 	snop;
	(pc) =	sbr.rel @p0 .LBB2_9-.Ltmp7, $4  }
0x40: {  	s24 =	sshll.u32 s23, $0xD  }
0x41: {  	s25 =	sshll.u32 s23, $0x7;
	s24 =	sand.u32 $0x3FFFE000, s24  }
0x42: {  	s1 =	sadd.s32 $0x1, s1;
	s25 =	sand.u32 $0x3FFFFF80, s25;
	s24 =	sadd.s32 $0x7D00, s24  }
0x43: {  	[tilespmem:s24], [sflag:s1] =	stream.indirect.gather [hbm4b:s5+s11], $0x40, s25, s11, $0xb8;
	[tilespmem:$0x17D00] =	vst v63  }
.LBB2_6:
0x44: {  	s1 =	sand.u32 $0xFFFF, s22  }
0x45: {  	s24 =	smulhi.u32 $0x28F5C29, s1;
	_ =	sdelay $0x1  }
0x46: {  	s24 =	smul.u32 $0x6400, s24  }
0x47: {  	s1 =	sshll.u32 s1, $0x8  }
0x48: {  	s1 =	ssub.s32 s1, s24  }
0x49: {  	s1 =	sshra.s32 s1, $0x2  }
0x4a: {  	s25 =	sadd.s32 $0x3300, s1;
	s1 =	sadd.s32 $0xFFFFFFFA, s23  }
0x4b: {  	s24 =	sand.u32 $0x7, s1;
	v0 =	vmov s25  }
0x4c: {  	s26 =	sadd.s32 $0x1, s24  }
0x4d: {  	_ =	swait.ge [sflag:s26], $0x2000  }
0x4e: {  	[sflag:s26] =	ssyncset.done $0x0  }
0x4f: {  	s28 =	simm.s32 $0x0;
	[sflag:s26] =	ssyncadd.s32 $0xFFFFE000  }
0x50: {  	v1 =	vld.idx.msk [tilespmem:v0+s28+$0xC0 ss:$0x1], $0xffff  }
0x51: {  	v2 =	vld.idx.msk [tilespmem:v0+s28+$0xFFFFFF00 ss:$0x1], $0xffff  }
0x52: {  	v3 =	vld.idx.msk [tilespmem:v0+s28+$0xFFFFFF40 ss:$0x1], $0xffff  }
0x53: {  	v4 =	vld.idx.msk [tilespmem:v0+s28+$0xFFFFFF80 ss:$0x1], $0xffff  }
0x54: {  	s26 =	sand.u32 $0x7, s21;
	v5 =	vld.idx.msk [tilespmem:v0+s28+$0xFFFFFFC0 ss:$0x1], $0xffff  }
0x55: {  	s25 =	sshll.u32 s26, $0xD;
	v6 =	vld.idx.msk [tilespmem:v0+s28+$0x0 ss:$0x1], $0xffff  }
0x56: {  	v7 =	vld.idx.msk [tilespmem:v0+s28+$0x40 ss:$0x1], $0xffff;
	s25 =	sadd.s32 $0x7D00, s25  }
0x57: {  	v8 =	vld.idx.msk [tilespmem:v0+s28+$0x80 ss:$0x1], $0xffff;
	s26 =	sadd.s32 $0x0, s25  }
0x58: {  	[tilespmem:s26+$0x1C0] =	vst.add.f32.msk $0xffff, v1  }
0x59: {  	[tilespmem:s26+$0x0] =	vst.add.f32.msk $0xffff, v2  }
0x5a: {  	[tilespmem:s26+$0x40] =	vst.add.f32.msk $0xffff, v3  }
0x5b: {  	[tilespmem:s26+$0x80] =	vst.add.f32.msk $0xffff, v4  }
0x5c: {  	[tilespmem:s26+$0xC0] =	vst.add.f32.msk $0xffff, v5  }
0x5d: {  	[tilespmem:s26+$0x100] =	vst.add.f32.msk $0xffff, v6  }
0x5e: {  	[tilespmem:s26+$0x140] =	vst.add.f32.msk $0xffff, v7  }
0x5f: {  	[tilespmem:s26+$0x180] =	vst.add.f32.msk $0xffff, v8  }
0x60: {  	v1 =	vld.idx.msk [tilespmem:v0+s28+$0xD0 ss:$0x1], $0xffff  }
0x61: {  	v2 =	vld.idx.msk [tilespmem:v0+s28+$0xFFFFFF10 ss:$0x1], $0xffff  }
0x62: {  	v3 =	vld.idx.msk [tilespmem:v0+s28+$0xFFFFFF50 ss:$0x1], $0xffff  }
0x63: {  	v4 =	vld.idx.msk [tilespmem:v0+s28+$0xFFFFFF90 ss:$0x1], $0xffff  }
0x64: {  	v5 =	vld.idx.msk [tilespmem:v0+s28+$0xFFFFFFD0 ss:$0x1], $0xffff  }
0x65: {  	v6 =	vld.idx.msk [tilespmem:v0+s28+$0x10 ss:$0x1], $0xffff  }
0x66: {  	v7 =	vld.idx.msk [tilespmem:v0+s28+$0x50 ss:$0x1], $0xffff  }
0x67: {  	[tilespmem:s26+$0x1D0] =	vst.add.f32.msk $0xffff, v1  }
0x68: {  	[tilespmem:s26+$0x10] =	vst.add.f32.msk $0xffff, v2  }
0x69: {  	[tilespmem:s26+$0x50] =	vst.add.f32.msk $0xffff, v3  }
0x6a: {  	[tilespmem:s26+$0x90] =	vst.add.f32.msk $0xffff, v4  }
0x6b: {  	[tilespmem:s26+$0xD0] =	vst.add.f32.msk $0xffff, v5  }
0x6c: {  	[tilespmem:s26+$0x110] =	vst.add.f32.msk $0xffff, v6  }
0x6d: {  	[tilespmem:s26+$0x150] =	vst.add.f32.msk $0xffff, v7  }
0x6e: {  	v1 =	vld.idx.msk [tilespmem:v0+s28+$0xE0 ss:$0x1], $0xffff  }
0x6f: {  	v2 =	vld.idx.msk [tilespmem:v0+s28+$0xFFFFFF60 ss:$0x1], $0xffff  }
0x70: {  	v3 =	vld.idx.msk [tilespmem:v0+s28+$0xFFFFFFA0 ss:$0x1], $0xffff  }
0x71: {  	v56 =	vld.idx.msk [tilespmem:v0+s28+$0xFFFFFFE0 ss:$0x1], $0xffff  }
0x72: {  	v57 =	vld.idx.msk [tilespmem:v0+s28+$0x20 ss:$0x1], $0xffff  }
0x73: {  	v58 =	vld.idx.msk [tilespmem:v0+s28+$0x60 ss:$0x1], $0xffff  }
0x74: {  	[tilespmem:s26+$0x1E0] =	vst.add.f32.msk $0xffff, v1  }
0x75: {  	[tilespmem:s26+$0x60] =	vst.add.f32.msk $0xffff, v2  }
0x76: {  	v1 =	vld.idx.msk [tilespmem:v0+s28+$0xF0 ss:$0x1], $0xffff  }
0x77: {  	[tilespmem:s26+$0xA0] =	vst.add.f32.msk $0xffff, v3  }
0x78: {  	[tilespmem:s26+$0xE0] =	vst.add.f32.msk $0xffff, v56  }
0x79: {  	[tilespmem:s26+$0x120] =	vst.add.f32.msk $0xffff, v57  }
0x7a: {  	[tilespmem:s26+$0x160] =	vst.add.f32.msk $0xffff, v58  }
0x7b: {  	[tilespmem:s26+$0x1F0] =	vst.add.f32.msk $0xffff, v1  }
0x7c: {  	v1 =	vld.idx.msk [tilespmem:v0+s28+$0x90 ss:$0x1], $0xffff  }
0x7d: {  	v3 =	vld.idx.msk [tilespmem:v0+s28+$0xFFFFFF70 ss:$0x1], $0xffff  }
0x7e: {  	v60 =	vld.idx.msk [tilespmem:v0+s28+$0xFFFFFFB0 ss:$0x1], $0xffff  }
0x7f: {  	v61 =	vld.idx.msk [tilespmem:v0+s28+$0xFFFFFFF0 ss:$0x1], $0xffff  }
0x80: {  	v62 =	vld.idx.msk [tilespmem:v0+s28+$0x30 ss:$0x1], $0xffff  }
0x81: {  	[tilespmem:s26+$0x190] =	vst.add.f32.msk $0xffff, v1  }
0x82: {  	v1 =	vld.idx.msk [tilespmem:v0+s28+$0xFFFFFF20 ss:$0x1], $0xffff  }
0x83: {  	v59 =	vld.idx.msk [tilespmem:v0+s28+$0xA0 ss:$0x1], $0xffff  }
0x84: {  	v63 =	vld.idx.msk [tilespmem:v0+s28+$0x70 ss:$0x1], $0xffff  }
0x85: {  	[tilespmem:s26+$0x70] =	vst.add.f32.msk $0xffff, v3  }
0x86: {  	[tilespmem:s26+$0xB0] =	vst.add.f32.msk $0xffff, v60  }
0x87: {  	[tilespmem:s26+$0x20] =	vst.add.f32.msk $0xffff, v1  }
0x88: {  	[tilespmem:s26+$0x1A0] =	vst.add.f32.msk $0xffff, v59  }
0x89: {  	v2 =	vld.idx.msk [tilespmem:v0+s28+$0xFFFFFF30 ss:$0x1], $0xffff  }
0x8a: {  	v1 =	vld.idx.msk [tilespmem:v0+s28+$0xB0 ss:$0x1], $0xffff  }
0x8b: {  	[tilespmem:s26+$0xF0] =	vst.add.f32.msk $0xffff, v61  }
0x8c: {  	[tilespmem:s26+$0x130] =	vst.add.f32.msk $0xffff, v62  }
0x8d: {  	s29 =	sshll.u32 s1, $0x7;
	s1 =	sshll.u32 s24, $0xD;
	[tilespmem:s26+$0x170] =	vst.add.f32.msk $0xffff, v63  }
0x8e: {  	s30 =	simm.s32 $0x0;
	s31 =	simm.s32 $0x800;
	s28 =	sadd.s32 $0x7D00, s1;
	[tilespmem:s26+$0x30] =	vst.add.f32.msk $0xffff, v2  }
.LBB2_7:
0x8f: {  	s1 =	sshra.s32 s31, $0x2;
	s30 =	sadd.s32 $0x8, s30;
	[tilespmem:s26+$0x1B0] =	vst.add.f32.msk $0xffff, v1  }
0x90: {  	v1 =	vld.idx.msk [tilespmem:v0+s1+$0xC0 ss:$0x1], $0xffff;
	p0 =	slt.u32 s30, $0x78  }
0x91: {  	v2 =	vld.idx.msk [tilespmem:v0+s1+$0xFFFFFF00 ss:$0x1], $0xffff  }
0x92: {  	v3 =	vld.idx.msk [tilespmem:v0+s1+$0xFFFFFF40 ss:$0x1], $0xffff  }
0x93: {  	v4 =	vld.idx.msk [tilespmem:v0+s1+$0xFFFFFF80 ss:$0x1], $0xffff  }
0x94: {  	v5 =	vld.idx.msk [tilespmem:v0+s1+$0xFFFFFFC0 ss:$0x1], $0xffff  }
0x95: {  	s26 =	sadd.s32 s1, s25;
	v6 =	vld.idx.msk [tilespmem:v0+s1+$0x0 ss:$0x1], $0xffff  }
0x96: {  	[tilespmem:s26+$0x1C0] =	vst.add.f32.msk $0xffff, v1  }
0x97: {  	v1 =	vld.idx.msk [tilespmem:v0+s1+$0xD0 ss:$0x1], $0xffff  }
0x98: {  	v7 =	vld.idx.msk [tilespmem:v0+s1+$0x40 ss:$0x1], $0xffff  }
0x99: {  	v8 =	vld.idx.msk [tilespmem:v0+s1+$0x80 ss:$0x1], $0xffff  }
0x9a: {  	[tilespmem:s26+$0x0] =	vst.add.f32.msk $0xffff, v2  }
0x9b: {  	[tilespmem:s26+$0x40] =	vst.add.f32.msk $0xffff, v3  }
0x9c: {  	[tilespmem:s26+$0x80] =	vst.add.f32.msk $0xffff, v4  }
0x9d: {  	[tilespmem:s26+$0x1D0] =	vst.add.f32.msk $0xffff, v1  }
0x9e: {  	v1 =	vld.idx.msk [tilespmem:v0+s1+$0xE0 ss:$0x1], $0xffff  }
0x9f: {  	[tilespmem:s26+$0xC0] =	vst.add.f32.msk $0xffff, v5  }
0xa0: {  	[tilespmem:s26+$0x100] =	vst.add.f32.msk $0xffff, v6  }
0xa1: {  	[tilespmem:s26+$0x140] =	vst.add.f32.msk $0xffff, v7  }
0xa2: {  	[tilespmem:s26+$0x180] =	vst.add.f32.msk $0xffff, v8  }
0xa3: {  	v2 =	vld.idx.msk [tilespmem:v0+s1+$0xFFFFFF10 ss:$0x1], $0xffff  }
0xa4: {  	[tilespmem:s26+$0x1E0] =	vst.add.f32.msk $0xffff, v1  }
0xa5: {  	v1 =	vld.idx.msk [tilespmem:v0+s1+$0xF0 ss:$0x1], $0xffff  }
0xa6: {  	v3 =	vld.idx.msk [tilespmem:v0+s1+$0xFFFFFF50 ss:$0x1], $0xffff  }
0xa7: {  	v4 =	vld.idx.msk [tilespmem:v0+s1+$0xFFFFFF90 ss:$0x1], $0xffff  }
0xa8: {  	v5 =	vld.idx.msk [tilespmem:v0+s1+$0xFFFFFFD0 ss:$0x1], $0xffff  }
0xa9: {  	v6 =	vld.idx.msk [tilespmem:v0+s1+$0x10 ss:$0x1], $0xffff  }
0xaa: {  	v7 =	vld.idx.msk [tilespmem:v0+s1+$0x50 ss:$0x1], $0xffff  }
0xab: {  	[tilespmem:s26+$0x1F0] =	vst.add.f32.msk $0xffff, v1  }
0xac: {  	v1 =	vld.idx.msk [tilespmem:v0+s1+$0x90 ss:$0x1], $0xffff  }
0xad: {  	[tilespmem:s26+$0x10] =	vst.add.f32.msk $0xffff, v2  }
0xae: {  	[tilespmem:s26+$0x50] =	vst.add.f32.msk $0xffff, v3  }
0xaf: {  	[tilespmem:s26+$0x90] =	vst.add.f32.msk $0xffff, v4  }
0xb0: {  	[tilespmem:s26+$0xD0] =	vst.add.f32.msk $0xffff, v5  }
0xb1: {  	[tilespmem:s26+$0x110] =	vst.add.f32.msk $0xffff, v6  }
0xb2: {  	[tilespmem:s26+$0x150] =	vst.add.f32.msk $0xffff, v7  }
0xb3: {  	[tilespmem:s26+$0x190] =	vst.add.f32.msk $0xffff, v1  }
0xb4: {  	v1 =	vld.idx.msk [tilespmem:v0+s1+$0xFFFFFF20 ss:$0x1], $0xffff  }
0xb5: {  	v2 =	vld.idx.msk [tilespmem:v0+s1+$0xFFFFFF60 ss:$0x1], $0xffff  }
0xb6: {  	v3 =	vld.idx.msk [tilespmem:v0+s1+$0xFFFFFFA0 ss:$0x1], $0xffff  }
0xb7: {  	v4 =	vld.idx.msk [tilespmem:v0+s1+$0xFFFFFFE0 ss:$0x1], $0xffff  }
0xb8: {  	v5 =	vld.idx.msk [tilespmem:v0+s1+$0x20 ss:$0x1], $0xffff  }
0xb9: {  	v6 =	vld.idx.msk [tilespmem:v0+s1+$0x60 ss:$0x1], $0xffff  }
0xba: {  	v7 =	vld.idx.msk [tilespmem:v0+s1+$0xA0 ss:$0x1], $0xffff  }
0xbb: {  	[tilespmem:s26+$0x20] =	vst.add.f32.msk $0xffff, v1  }
0xbc: {  	[tilespmem:s26+$0x60] =	vst.add.f32.msk $0xffff, v2  }
0xbd: {  	[tilespmem:s26+$0xA0] =	vst.add.f32.msk $0xffff, v3  }
0xbe: {  	[tilespmem:s26+$0xE0] =	vst.add.f32.msk $0xffff, v4  }
0xbf: {  	[tilespmem:s26+$0x120] =	vst.add.f32.msk $0xffff, v5  }
0xc0: {  	[tilespmem:s26+$0x160] =	vst.add.f32.msk $0xffff, v6  }
0xc1: {  	[tilespmem:s26+$0x1A0] =	vst.add.f32.msk $0xffff, v7  }
0xc2: {  	v2 =	vld.idx.msk [tilespmem:v0+s1+$0xFFFFFF30 ss:$0x1], $0xffff  }
0xc3: {  	v3 =	vld.idx.msk [tilespmem:v0+s1+$0xFFFFFF70 ss:$0x1], $0xffff  }
0xc4: {  	v4 =	vld.idx.msk [tilespmem:v0+s1+$0xFFFFFFB0 ss:$0x1], $0xffff  }
0xc5: {  	v5 =	vld.idx.msk [tilespmem:v0+s1+$0xFFFFFFF0 ss:$0x1], $0xffff  }
0xc6: {  	v6 =	vld.idx.msk [tilespmem:v0+s1+$0x30 ss:$0x1], $0xffff  }
0xc7: {  	v7 =	vld.idx.msk [tilespmem:v0+s1+$0x70 ss:$0x1], $0xffff  }
0xc8: {  	v1 =	vld.idx.msk [tilespmem:v0+s1+$0xB0 ss:$0x1], $0xffff  }
0xc9: {  	[tilespmem:s26+$0x30] =	vst.add.f32.msk $0xffff, v2  }
.Ltmp8:
0xca: {  	[tilespmem:s26+$0x70] =	vst.add.f32.msk $0xffff, v3;
	(pc) =	sbr.rel @p0 .LBB2_7-.Ltmp8, $4  }
0xcb: {  	[tilespmem:s26+$0xB0] =	vst.add.f32.msk $0xffff, v4  }
0xcc: {  	[tilespmem:s26+$0xF0] =	vst.add.f32.msk $0xffff, v5  }
0xcd: {  	[tilespmem:s26+$0x130] =	vst.add.f32.msk $0xffff, v6  }
0xce: {  	s31 =	sadd.s32 $0x800, s31;
	[tilespmem:s26+$0x170] =	vst.add.f32.msk $0xffff, v7  }
.Ltmp9:
0xcf: {  	s1 =	sadd.s32 s4, s29;
	(pc) =	sbr.rel .LBB2_9-.Ltmp9, $4  }
0xd0: {  	s1 =	sshll.u32 s1, $0x3  }
0xd1: {  	s1 =	sand.u32 $0x1FFFFC00, s1  }
0xd2: {  	[tilespmem:s26+$0x1B0] =	vst.add.f32.msk $0xffff, v1;
	s24 =	sadd.s32 $0x9, s24;
	s1 =	sadd.s32 s2, s1  }
0xd3: {  	[hbm4b:s1+s3] =	stream.linear.scatter [tilespmem:s28], [sflag:s24], $0x2000, $0x38;
	[tilespmem:$0x17D00] =	vst v63  }
.LBB2_11:
0xd4: {  	_ =	sfence.sel $0x180000  }
0xd5: {  	[bflag:$0x0] =	sbarrier.arrive $0xFFFF  }
0xd6: {  	_ =	strace $0x90000047  }
0xd7: {  	[bflag:$0x2] =	sbarrier.arrive $0xFFFF  }
0xd8: {  	p0 =	sne.s32 s0, $0x0;
	s0 =	rddreg [dreg:$0x2]  }
0xd9: {  	s0 =	sadd.s32 @!p0 $0x100000, s0  }
0xda: {  	[sflag:s0] =	ssyncadd.tile.s32 @!p0 $0x1;
	_ =	shalt  }
.Lfunc_end2:
_tile_overlayer_lowered:
.L_overlay_start_2:
0xdb: {  	(tag) =	ssettag $0x2  }
0xdc: {  	s0 =	rddreg [dreg:$0x0];
	s2 =	stileid.u32  }
0xdd: {  	s1 =	rddreg [dreg:$0x1];
	p0 =	sne.s32 s2, $0x0  }
0xde: {  	s3 =	rddreg [dreg:$0x2];
	[bflag:$0x3] =	sbarrier.arrive $0xFFFF;
	s2 =	simm.s32 @!p0 $0x1C11  }
0xdf: {  	[timem:s3], [sflag:s2] =	dma.local @!p0 [hbm:s0], s1  }
0xe0: {  	s0 =	simm.s32 @!p0 $0x11  }
0xe1: {  	_ =	swait.ge @!p0 [sflag:s0], s1  }
0xe2: {  	s1 =	ssub.s32 @!p0 $0x0, s1;
	[sflag:s0] =	ssyncset.done @!p0 $0x0  }
0xe3: {  	[sflag:s0] =	ssyncadd.s32 @!p0 s1  }
0xe4: {  	[bflag:$0x3] =	sbarrier.arrive $0xFFFF  }
0xe5: {  	_ =	shalt  }

// kernel: sparse-core-data-format-call.cloned.1.call-start
scs
called_computation_lowered:
.L_overlay_start_0:
0x0: {  	s2 =	sld [smem:$0x3FD9]  }
0x1: {  	s3 =	sld [smem:$0x3FFE];
	_ =	sdelay $0x1  }
0x2: {  	s1 =	srdreg.scid  }
0x3: {  	s0 =	sand.u32 $0x1, s1  }
0x4: {  	s18 =	sshll.u32 s0, $0xA;
	s2 =	sadd.s32 s3, s2  }
0x5: {  	s2 =	sadd.s32 s2, s18  }
0x6: {  	[smem:$0x3FC5] =	sst s2  }
0x7: {  	_ = 	snop  }
0x8: {  	s2 =	sld [smem:$0x3FD0];
	(tm) =	ssettm $0x1  }
0x9: {  	s19 =	sld [smem:$0x3FFB];
	_ =	sdelay $0x3  }
0xa: {  	_ =	strace s19  }
0xb: {  	s3 =	sld [smem:$0x3FFC];
	_ =	sdelay $0x3  }
0xc: {  	_ =	strace s3  }
0xd: {  	s3 =	sld [smem:$0x3FFD];
	_ =	sdelay $0x3  }
0xe: {  	_ =	strace s3  }
0xf: {  	_ =	strace $0x8FFFFFFF  }
0x10: {  	s20 =	sld [smem:$0x3FDB];
	_ =	sdelay $0x1  }
0x11: {  	s4 =	simm.s32 $_scs_section_size  }
0x12: {  	s5 =	simm.s32 $_size__tile_overlayer_lowered;
	s6 =	simm.s32 $_tile_overlayer_lowered  }
0x13: {  	s23 =	simm.s32 $0x1BFF;
	s22 =	sshll.u32 s6, $0x1;
	s3 =	sadd.s32 s4, s20  }
0x14: {  	s7 =	simm.s32 $0x0;
	s21 =	sshll.u32 s5, $0x1;
	s5 =	sadd.s32 s22, s3  }
0x15: {  	[timem:s7], [sflag:s23] =	dma.local [hbm:s5], s21  }
0x16: {  	_ =	swait.ge [sflag:s23], s21  }
0x17: {  	s4 =	ssub.s32 $0x0, s21;
	[sflag:s23] =	ssyncset.done $0x0  }
0x18: {  	[sflag:s23] =	ssyncadd.s32 s4;
	_ =	sdelay $0x1  }
0x19: {  	s24 =	simm.s32 $0x1B8B  }
0x1a: {  	_ =	swait.ge [sflag:s24], $0x1  }
0x1b: {  	[sflag:s24] =	ssyncset.done $0x0  }
0x1c: {  	s26 =	simm.s32 $0x1B8E;
	s25 =	sld [smem:$0x3FFE];
	[sflag:s24] =	ssyncadd.s32 $0xFFFFFFFF  }
0x1d: {  	s27 =	simm.s32 $execute0_lowered;
	[smem:$0x3FD2] =	sst s26  }
0x1e: {  	s5 =	sshll.u32 s27, $0x1;
	_ =	strace $0x80000049;
	[dreg:$0x1] =	wrdreg $0xFFFFFFFF  }
0x1f: {  	s28 =	simm.s32 $_size_execute0_lowered;
	s3 =	sadd.s32 s3, s5;
	[dreg:$0x0] =	wrdreg $0x0  }
0x20: {  	s5 =	sshll.u32 s28, $0x1;
	[dreg:$0x2] =	wrdreg s3  }
0x21: {  	[dreg:$0x3] =	wrdreg s5  }
0x22: {  	[dreg:$0x4] =	wrdreg $0xC0  }
0x23: {  	_ =	task [dreg:s7], $0x5FFFF  }
0x24: {  	[dreg:$0x1] =	wrdreg $0xFFFFFFFF  }
0x25: {  	[dreg:$0x0] =	wrdreg $0x60  }
0x26: {  	[dreg:$0x2] =	wrdreg s25  }
0x27: {  	[dreg:$0x3] =	wrdreg s2  }
0x28: {  	[dreg:$0x4] =	wrdreg $0x9  }
0x29: {  	_ =	task.clear_ibuf [dreg:s7], $0x5FFFF;
	_ =	strace $0x90000049  }
0x2a: {  	s29 =	simm.s32 $0x9;
	_ =	strace $0x8000004B  }
0x2b: {  	_ =	swait.ge [sflag:s29], $0x1  }
0x2c: {  	[sflag:s29] =	ssyncadd.s32 $0xFFFFFFFF  }
0x2d: {  	_ =	strace $0x9000004B  }
0x2e: {  	_ =	sfence  }
0x2f: {  	s30 =	sld [smem:$0x0];
	_ =	sdelay $0x2  }
0x30: {  	s31 =	sshll.u32 s1, $0xD;
	s1 =	sshrl.u32 s1, $0x2  }
0x31: {  	s3 =	sand.u32 $0x4000, s31;
	s1 =	sadd.s32 s1, s30  }
0x32: {  	s0 =	sor.u32 s3, s0;
	s1 =	sshll.u32 s1, $0x11  }
0x33: {  	s0 =	sor.u32 s1, s0  }
0x34: {  	s0 =	sadd.s32 $0x8F2B, s0  }
0x35: {  	[sflag:s0] =	ssyncadd.remote.s32 $0x1  }
0x36: {  	_ =	sfence.sel $0xFFFF  }
0x37: {  	[dreg:$0x0] =	wrdreg $0xFFFFFFFF;
	(pc) =	sbr.abs _section_cstart, $3  }
0x38: {  	[dreg:$0x1] =	wrdreg $0xFFFFFFFF  }
0x39: {  	_ =	task.clear_ibuf [dreg:s7], $0x2FFFF;
	_ =	strace $0x9FFFFFFF  }
0x3a: {  	(tm) =	ssettm $0x7FFFFFFF  }
0x3b: {  	_ =	shalt  }
tec
execute0_lowered:
.L_overlay_start_1:
0x0: {  	(tag) =	ssettag $0x1  }
0x1: {  	s0 =	srdreg.scid  }
0x2: {  	s1 =	sshll.u32 s0, $0x4  }
0x3: {  	s0 =	stileid.u32;
	s1 =	sand.u32 $0x10, s1  }
0x4: {  	s1 =	sor.u32 s0, s1  }
0x5: {  	s6 =	rddreg [dreg:$0x0];
	s4 =	simm.s32 $0x1;
	s2 =	sshll.u32 s1, $0x7  }
0x6: {  	s7 =	simm.s32 $0x2;
	s12 =	simm.s32 $0x0;
	s1 =	ssub.s32 $0x1000, s2  }
0x7: {  	s8 =	simm.s32 $0x8000;
	s13 =	simm.s32 $0x0;
	s3 =	sand.u32 $0xF80, s1  }
0x8: {  	s9 =	simm.s32 $0x0;
	s5 =	sshrl.u32 s1, $0xC;
	p0 =	sne.s32 s3, $0x0  }
.Ltmp0:
0x9: {  	s1 =	rddreg [dreg:$0x2];
	s4 =	simm.s32 @!p0 $0x0;
	(pc) =	sbr.rel .LBB1_1-.Ltmp0, $4  }
0xa: {  	s11 =	simm.s32 $0x0;
	s3 =	rddreg [dreg:$0x1];
	s5 =	sadd.s32 s4, s5  }
0xb: {  	_ =	strace $0x8000004A;
	s4 =	simm.s32 $0x1;
	s5 =	smul.u32 $0x64, s5  }
0xc: {  	s6 =	sadd.s32 $0x800, s6;
	s10 =	smov.u32 s2;
	[sflag:s4] =	ssyncpa.u1 $0x0  }
0xd: {  	p0 =	por $0x0, $0x0;
	[sflag:s7] =	ssyncpa.u1 $0x0;
	s7 =	sor.u32 $0x1, s5  }
.LBB1_4:
0xe: {  	s16 =	sshll.u32 s13, $0x3;
	s17 =	sand.u32 $0x78, s13  }
0xf: {  	s30 =	sand.u32 $0x7E00, s13;
	s12 =	sshll.u32 s12, $0xF;
	s16 =	sand.u32 $0xC00, s16  }
0x10: {  	[tilespmem:s15+$0x810 ss:$0x81] =	vst.msk $0xffff, v2;
	s31 =	sand.u32 $0x7, s13;
	s16 =	sor.u32 s17, s16;
	s17 =	sadd.s32 s3, s30  }
0x11: {  	[tilespmem:s15+$0x1020 ss:$0x81] =	vst.msk $0xffff, v0;
	s13 =	sshll.u32 s31, $0x12;
	s12 =	sadd.s32 s12, s17;
	s16 =	sshrl.u32 s16, $0x3  }
0x12: {  	[tilespmem:s15+$0x0 ss:$0x81] =	vst.msk $0xffff, v1;
	s13 =	sor.u32 $0x400, s13;
	s12 =	sadd.s32 s16, s12  }
0x13: {  	[hbm4b:s12+s13] =	stream.strided.scatter [tilespmem:s14], [sflag:$0x2], $0x2000, s8, s13, $0x20;
	[tilespmem:$0x8080] =	vst v63  }
.LBB1_5:
0x14: {  	s14 =	sadd.s32 $0x1, s9  }
0x15: {  	s12 =	sadd.s32 $0x1000, s10;
	s16 =	smov.u32 s10;
	p2 =	sgt.s32 s14, $0x63  }
0x16: {  	s16 =	smov.u32 @p2 s12  }
0x17: {  	s14 =	simm.s32 @p2 $0x0;
	p2 =	sgt.s32 s16, $0xFFF  }
0x18: {  	s16 =	smov.u32 @p2 s2;
	p2 =	sne.s32 s11, s7  }
.Ltmp1:
0x19: {  	p1 =	slt.u32 s11, $0x2;
	(pc) =	sbr.rel @!p2 .LBB1_6-.Ltmp1, $4  }
0x1a: {  	s15 =	simm.s32 @!p1 $0x2  }
0x1b: {  	s13 =	smov.u32 s10;
	p0 =	por !p0, !p0;
	_ =	swait.ge @!p1 [sflag:s15], $0x2000  }
0x1c: {  	s12 =	smov.u32 s9;
	[sflag:s15] =	ssyncset.done @!p1 $0x0;
	s9 =	smov.u32 s14  }
0x1d: {  	s11 =	sadd.s32 $0x1, s11;
	[sflag:s15] =	ssyncadd.s32 @!p1 $0xFFFFE000;
	s10 =	smov.u32 s16  }
.LBB1_1:
0x1e: {  	p1 =	sge.u32 s11, s5  }
0x1f: {  	s14 =	sand.u32 @!p1 $0x1FFFFFF, s9  }
0x20: {  	s15 =	smulhi.u32 @!p1 $0x2762763, s14;
	_ =	sdelay $0x1  }
0x21: {  	s15 =	smul.u32 @!p1 $0x68, s15  }
0x22: {  	s16 =	sxor.u32 @!p1 $0xFFFFFFFF, s11;
	s17 =	smul.u32 @!p1 $0x680, s10  }
0x23: {  	s31 =	sadd.s32 $0xFFFFFFFF, s11;
	s16 =	sshll.u32 @!p1 s16, $0xD;
	s14 =	ssub.s32 @!p1 s14, s15  }
0x24: {  	s15 =	sand.u32 @!p1 $0x2000, s16;
	s16 =	sadd.s32 @!p1 s6, s17;
	s14 =	sshll.u32 @!p1 s14, $0x4  }
0x25: {  	s17 =	simm.s32 @!p1 $0x3400;
	s14 =	sadd.s32 @!p1 s14, s16;
	s16 =	simm.s32 @!p1 $0x40  }
0x26: {  	[tilespmem:s15], [sflag:$0x1] =	stream.strided.gather @!p1 [hbm4b:s14+s16], $0x2000, s17, s16, $0x38;
	[tilespmem:$0x8080] =	vst v63  }
0x27: {  	p1 =	sge.u32 s31, s5  }
.Ltmp2:
0x28: {  	_ = 	snop;
	(pc) =	sbr.rel @p1 .LBB1_5-.Ltmp2, $1  }
0x29: {  	_ =	sdelay $0x3  }
0x2a: {  	s14 =	simm.s32 $0x1  }
0x2b: {  	_ =	swait.ge [sflag:s4], $0x2000;
	s14 =	simm.s32 @!p0 $0x0  }
0x2c: {  	[sflag:s4] =	ssyncset.done $0x0;
	s15 =	sshll.u32 s14, $0xD  }
0x2d: {  	[sflag:s4] =	ssyncadd.s32 $0xFFFFE000;
	s18 =	sor.u32 $0x20, s15  }
0x2e: {  	s14 =	smul.u32 $0x8100, s14;
	v3 =	vld [tilespmem:s18+$0x10]  }
0x2f: {  	s30 =	sand.u32 $0x1, s11;
	v2 =	vld [tilespmem:s18+$0xFFFFFFF0]  }
0x30: {  	s15 =	smul.u32 $0x8100, s30;
	s14 =	sshrl.u32 s14, $0x2;
	v0 =	vld [tilespmem:s18+$0x0]  }
0x31: {  	v1 =	vld [tilespmem:s18+$0xFFFFFFE0];
	s16 =	sor.u32 $0x4000, s14  }
0x32: {  	s31 =	sshrl.u32 s15, $0x2;
	s15 =	sadd.s32 $0x0, s16  }
0x33: {  	s17 =	simm.s32 $0x4;
	s18 =	sadd.s32 $0x40, s18;
	s14 =	sor.u32 $0x4000, s31;
	[tilespmem:s15+$0x1830 ss:$0x81] =	vst.msk $0xffff, v3  }
.LBB1_3:
0x34: {  	v3 =	vld [tilespmem:s18+$0x10];
	p1 =	sne.s32 s17, $0x1FC;
	[tilespmem:s15+$0x810 ss:$0x81] =	vst.msk $0xffff, v2;
	s19 =	smov.u32 s17;
	s17 =	sadd.s32 $0x4, s17  }
.Ltmp3:
0x35: {  	v2 =	vld [tilespmem:s18+$0xFFFFFFF0];
	[tilespmem:s15+$0x1020 ss:$0x81] =	vst.msk $0xffff, v0;
	(pc) =	sbr.rel @p1 .LBB1_3-.Ltmp3, $4  }
0x36: {  	v0 =	vld [tilespmem:s18+$0x0];
	[tilespmem:s15+$0x0 ss:$0x81] =	vst.msk $0xffff, v1  }
0x37: {  	s15 =	sshra.s32 s19, $0x2;
	v1 =	vld [tilespmem:s18+$0xFFFFFFE0]  }
0x38: {  	s15 =	sadd.s32 s15, s16  }
0x39: {  	s18 =	sadd.s32 $0x40, s18;
	[tilespmem:s15+$0x1830 ss:$0x81] =	vst.msk $0xffff, v3  }
.Ltmp4:
0x3a: {  	_ = 	snop;
	(pc) =	sbr.rel .LBB1_4-.Ltmp4, $1  }
0x3b: {  	_ =	sdelay $0x3  }
.LBB1_6:
0x3c: {  	_ =	sfence.sel $0x180000  }
0x3d: {  	s2 =	simm.s32 $0x1;
	[bflag:$0x0] =	sbarrier.arrive $0xFFFF  }
0x3e: {  	s31 =	simm.s32 $0x2;
	[sflag:s2] =	ssyncpa.u1 $0x1  }
0x3f: {  	[sflag:s31] =	ssyncpa.u1 $0x1  }
0x40: {  	p0 =	sne.s32 s0, $0x0;
	_ =	strace $0x9000004A  }
0x41: {  	s0 =	sadd.s32 @!p0 $0x100000, s1;
	[bflag:$0x2] =	sbarrier.arrive $0xFFFF  }
0x42: {  	[sflag:s0] =	ssyncadd.tile.s32 @!p0 $0x1;
	_ =	shalt  }
.Lfunc_end1:
_tile_overlayer_lowered:
.L_overlay_start_2:
0x43: {  	(tag) =	ssettag $0x2  }
0x44: {  	s0 =	rddreg [dreg:$0x0];
	s2 =	stileid.u32  }
0x45: {  	s1 =	rddreg [dreg:$0x1];
	p0 =	sne.s32 s2, $0x0  }
0x46: {  	s3 =	rddreg [dreg:$0x2];
	[bflag:$0x3] =	sbarrier.arrive $0xFFFF;
	s2 =	simm.s32 @!p0 $0x1C01  }
0x47: {  	[timem:s3], [sflag:s2] =	dma.local @!p0 [hbm:s0], s1  }
0x48: {  	s0 =	simm.s32 @!p0 $0x1  }
0x49: {  	_ =	swait.ge @!p0 [sflag:s0], s1  }
0x4a: {  	s1 =	ssub.s32 @!p0 $0x0, s1;
	[sflag:s0] =	ssyncset.done @!p0 $0x0  }
0x4b: {  	[sflag:s0] =	ssyncadd.s32 @!p0 s1  }
0x4c: {  	[bflag:$0x3] =	sbarrier.arrive $0xFFFF  }
0x4d: {  	_ =	shalt  }

</sc_bundles>
